<compile_context>
chip_gen: v7x
topology: tpu7x:2x2x1
jax: 0.10.2.dev20260603
libtpu: 0.0.44.dev20260713+nightly
codegen_flags: <defaults>
</compile_context>

<pallas_src>
import jax
import jax.numpy as jnp
from jax import lax
from jax.experimental import pallas as pl
from jax.experimental.pallas import tpu as pltpu
from jax.experimental.pallas import tpu_sc as plsc

VOCAB_K = 100000
HID = 128
EPS_K = 1e-6
_NC = 2
_NS = 16
_NW = _NC * _NS
_CHUNK = 128
_NBUF = 6
_LOOKAHEAD = 3


def _rsqrt_newton(v):
    i = lax.bitcast_convert_type(v, jnp.int32)
    i = jnp.int32(0x5F3759DF) - lax.shift_right_logical(i, jnp.int32(1))
    y = lax.bitcast_convert_type(i, jnp.float32)
    for _ in range(2):
        y = y * (1.5 - 0.5 * v * y * y)
    return y


def _body(idx_hbm, table_hbm, w_hbm, out_hbm, idx_v, w_v, buf, sem_in, sem_out):
    cid = lax.axis_index("c")
    sid = lax.axis_index("s")
    wid = sid * _NC + cid
    n_chunks = idx_v.shape[0]
    per_tile = n_chunks * _CHUNK
    base = wid * per_tile

    pltpu.sync_copy(idx_hbm.at[wid], idx_v)
    pltpu.sync_copy(w_hbm, w_v)

    def clamp_chunk(c):
        for j in range(_CHUNK // 16):
            x = idx_v[c, pl.ds(16 * j, 16)]
            x = jnp.minimum(jnp.maximum(x, 0), VOCAB_K - 1)
            idx_v[c, pl.ds(16 * j, 16)] = x

    ws = [w_v[pl.ds(16 * j, 16)] for j in range(HID // 16)]

    def fire_gather(c):
        b = lax.rem(c, _NBUF)
        pltpu.async_copy(table_hbm.at[idx_v.at[c]], buf.at[b], sem_in.at[b])

    def out_slice(c):
        return out_hbm.at[pl.ds(base + c * _CHUNK, _CHUNK)]

    for c in range(_LOOKAHEAD):
        clamp_chunk(jnp.int32(c))
        fire_gather(jnp.int32(c))

    def chunk_body(c, carry):
        b = lax.rem(c, _NBUF)
        nxt = c + _LOOKAHEAD
        bn = lax.rem(nxt, _NBUF)

        @pl.when(jnp.logical_and(nxt < n_chunks, nxt >= _NBUF))
        def _():
            pltpu.make_async_copy(
                buf.at[bn], out_slice(nxt - _NBUF), sem_out.at[bn]
            ).wait()

        @pl.when(nxt < n_chunks)
        def _():
            clamp_chunk(nxt)
            fire_gather(nxt)

        pltpu.make_async_copy(table_hbm.at[idx_v.at[c]], buf.at[b], sem_in.at[b]).wait()

        @plsc.parallel_loop(0, _CHUNK, unroll=2)
        def row_body(r):
            xs = [buf[b, r, pl.ds(16 * j, 16)] for j in range(HID // 16)]
            acc = xs[0] * xs[0]
            for j in range(1, HID // 16):
                acc = acc + xs[j] * xs[j]
            m = jnp.sum(acc) * (1.0 / HID) + EPS_K
            rs = _rsqrt_newton(m)
            for j in range(HID // 16):
                buf[b, r, pl.ds(16 * j, 16)] = xs[j] * rs * ws[j]

        pltpu.async_copy(buf.at[b], out_slice(c), sem_out.at[b])
        return carry

    lax.fori_loop(0, n_chunks, chunk_body, 0)

    for k in range(_NBUF):
        c = n_chunks - _NBUF + k
        b = lax.rem(jnp.int32(c), _NBUF)
        pltpu.make_async_copy(buf.at[b], out_slice(c), sem_out.at[b]).wait()


def kernel(input_ids, word_embeddings, norm_weight):
    B, S = input_ids.shape
    N = B * S
    n_chunks = N // (_NW * _CHUNK)
    idx = input_ids.astype(jnp.int32).reshape(_NW, n_chunks, _CHUNK)
    mesh = plsc.VectorSubcoreMesh(core_axis_name="c", subcore_axis_name="s")
    k = pl.kernel(
        _body,
        out_type=jax.ShapeDtypeStruct((N, HID), jnp.float32),
        mesh=mesh,
        compiler_params=pltpu.CompilerParams(needs_layout_passes=False),
        scratch_types=[
            pltpu.VMEM((n_chunks, _CHUNK), jnp.int32),
            pltpu.VMEM((HID,), jnp.float32),
            pltpu.VMEM((_NBUF, _CHUNK, HID), jnp.float32),
            pltpu.SemaphoreType.DMA((_NBUF,)),
            pltpu.SemaphoreType.DMA((_NBUF,)),
        ],
    )
    out = k(idx, word_embeddings, norm_weight)
    return out.reshape(B, S, HID)

# --- scband reference (transcript-rebuilt; emitter-appended) ---
"""Pipeline reference for scband-neo-bertembeddings-13254269075519 (READ-ONLY COPY).

The authoritative reference and input builder live on the scoring server;
editing this copy changes nothing except your own understanding.
"""

import jax, jax.numpy as jnp
import numpy as np

VOCAB = 100000
HIDDEN = 128
BATCH = 4096
SEQ = 200
EPS = 1e-6

def setup_inputs(seed: int = 0) -> dict:
    key = jax.random.key(seed)
    k1, k2 = jax.random.split(key)
    input_ids = jax.random.randint(k1, (BATCH, SEQ), 0, VOCAB, dtype=jnp.int64 if jax.config.jax_enable_x64 else jnp.int32)
    word_embeddings = jax.random.normal(k2, (VOCAB, HIDDEN), dtype=jnp.float32) * 0.02
    norm_weight = jnp.ones((HIDDEN,), dtype=jnp.float32)
    return {"input_ids": input_ids, "word_embeddings": word_embeddings, "norm_weight": norm_weight}

def _rmsnorm(x, weight):
    variance = jnp.mean(jnp.square(x), axis=-1, keepdims=True)
    norm_x = x * jax.lax.rsqrt(variance + EPS)
    return norm_x * weight

def reference(input_ids, word_embeddings, norm_weight):
    # clamp like the torch module does
    idx = jnp.clip(input_ids, 0, VOCAB - 1)
    emb = jnp.take(word_embeddings, idx, axis=0)  # gather -> [B, S, H]
    emb = _rmsnorm(emb, norm_weight)
    # dropout is identity in eval mode
    return emb

if __name__ == "__main__":
    import jax
    _d = setup_inputs()
    print(jax.jit(kernel)(*tuple(_d.values())))

</pallas_src>

<mosaic_0001>
#map = affine_map<(d0, d1) -> (0, 0, 0)>
#map1 = affine_map<(d0, d1) -> (0, 0)>
#map2 = affine_map<(d0, d1) -> (0)>
module attributes {stable_mosaic.version = 14 : i64} {
  func.func @_body(%arg0: i32, %arg1: i32, %arg2: memref<32x200x128xi32, #tpu.memory_space<hbm>>, %arg3: memref<100000x128xf32, #tpu.memory_space<hbm>>, %arg4: memref<128xf32, #tpu.memory_space<hbm>>, %arg5: memref<819200x128xf32, #tpu.memory_space<hbm>>, %arg6: memref<200x128xi32, #tpu.memory_space<vmem>>, %arg7: memref<128xf32, #tpu.memory_space<vmem>>, %arg8: memref<6x128x128xf32, #tpu.memory_space<vmem>>, %arg9: memref<6x!tpu.dma_semaphore, #tpu.memory_space<semaphore_mem>>, %arg10: memref<6x!tpu.dma_semaphore, #tpu.memory_space<semaphore_mem>>) attributes {dimension_semantics = [#tpu.dimension_semantics<core_parallel>, #tpu.dimension_semantics<subcore_parallel>], iteration_bounds = array<i64: 2, 16>, scalar_prefetch = 0 : i64, scratch_operands = 5 : i64, tpu.core_type = #tpu.core_type<sc_vector_subcore>, window_params = [{transform_indices = #map}, {transform_indices = #map1}, {transform_indices = #map2}, {transform_indices = #map1}]} {
    %mul3A = arith.constant 2 : i32
    %mul3A_0 = arith.muli %arg1, %mul3A : i32
    %add3A = arith.addi %mul3A_0, %arg0 : i32
    %mul3A_1 = arith.constant 25600 : i32
    %mul3A_2 = arith.muli %add3A, %mul3A_1 : i32
    "tpu.region"() ({
      %run_scoped3A = tpu.sem_alloc : memref<!tpu.dma_semaphore, #tpu.memory_space<semaphore_mem>>
      %dma_start3A_515 = arith.constant 0 : i32
      %dma_start3A_516 = arith.constant 0 : i32
      %dma_start3A_517 = tpu.memref_slice %arg2[%add3A, %dma_start3A_515, %dma_start3A_516] : memref<32x200x128xi32, #tpu.memory_space<hbm>> -> memref<1x200x128xi32, #tpu.memory_space<hbm>>
      %dma_start3A_518 = tpu.memref_squeeze %dma_start3A_517 : memref<1x200x128xi32, #tpu.memory_space<hbm>> -> memref<200x128xi32, #tpu.memory_space<hbm>>
      %dma_start3A_519 = arith.constant 0 : i32
      %dma_start3A_520 = arith.constant 0 : i32
      %dma_start3A_521 = tpu.memref_slice %arg2[%add3A, %dma_start3A_519, %dma_start3A_520] : memref<32x200x128xi32, #tpu.memory_space<hbm>> -> memref<1x200x128xi32, #tpu.memory_space<hbm>>
      %dma_start3A_522 = tpu.memref_squeeze %dma_start3A_521 : memref<1x200x128xi32, #tpu.memory_space<hbm>> -> memref<200x128xi32, #tpu.memory_space<hbm>>
      tpu.enqueue_dma source(%dma_start3A_522 : memref<200x128xi32, #tpu.memory_space<hbm>>) target(%arg6 : memref<200x128xi32, #tpu.memory_space<vmem>>) target_semaphore(%run_scoped3A : memref<!tpu.dma_semaphore, #tpu.memory_space<semaphore_mem>>)
      %dma_wait3A_523 = arith.constant 0 : i32
      %dma_wait3A_524 = arith.constant 0 : i32
      %dma_wait3A_525 = tpu.memref_slice %arg2[%add3A, %dma_wait3A_523, %dma_wait3A_524] : memref<32x200x128xi32, #tpu.memory_space<hbm>> -> memref<1x200x128xi32, #tpu.memory_space<hbm>>
      %dma_wait3A_526 = tpu.memref_squeeze %dma_wait3A_525 : memref<1x200x128xi32, #tpu.memory_space<hbm>> -> memref<200x128xi32, #tpu.memory_space<hbm>>
      %dma_wait3A_527 = arith.constant 0 : i32
      %dma_wait3A_528 = arith.constant 0 : i32
      %dma_wait3A_529 = tpu.memref_slice %arg2[%add3A, %dma_wait3A_527, %dma_wait3A_528] : memref<32x200x128xi32, #tpu.memory_space<hbm>> -> memref<1x200x128xi32, #tpu.memory_space<hbm>>
      %dma_wait3A_530 = tpu.memref_squeeze %dma_wait3A_529 : memref<1x200x128xi32, #tpu.memory_space<hbm>> -> memref<200x128xi32, #tpu.memory_space<hbm>>
      tpu.wait_dma2 semaphore(%run_scoped3A : memref<!tpu.dma_semaphore, #tpu.memory_space<semaphore_mem>>) src(%dma_wait3A_530 : memref<200x128xi32, #tpu.memory_space<hbm>>) dst(%arg6 : memref<200x128xi32, #tpu.memory_space<vmem>>)
      tpu.yield
    }) : () -> ()
    "tpu.region"() ({
      %run_scoped3A = tpu.sem_alloc : memref<!tpu.dma_semaphore, #tpu.memory_space<semaphore_mem>>
      tpu.enqueue_dma source(%arg4 : memref<128xf32, #tpu.memory_space<hbm>>) target(%arg7 : memref<128xf32, #tpu.memory_space<vmem>>) target_semaphore(%run_scoped3A : memref<!tpu.dma_semaphore, #tpu.memory_space<semaphore_mem>>)
      tpu.wait_dma2 semaphore(%run_scoped3A : memref<!tpu.dma_semaphore, #tpu.memory_space<semaphore_mem>>) src(%arg4 : memref<128xf32, #tpu.memory_space<hbm>>) dst(%arg7 : memref<128xf32, #tpu.memory_space<vmem>>)
      tpu.yield
    }) : () -> ()
    %get3A = arith.constant 0 : index
    %get3A_3 = tpu.vector_load %arg7[%get3A] {strides = array<i32>} : memref<128xf32, #tpu.memory_space<vmem>>, vector<16xf32>,
    %get3A_4 = arith.constant 16 : index
    %get3A_5 = tpu.vector_load %arg7[%get3A_4] {strides = array<i32>} : memref<128xf32, #tpu.memory_space<vmem>>, vector<16xf32>,
    %get3A_6 = arith.constant 32 : index
    %get3A_7 = tpu.vector_load %arg7[%get3A_6] {strides = array<i32>} : memref<128xf32, #tpu.memory_space<vmem>>, vector<16xf32>,
    %get3A_8 = arith.constant 48 : index
    %get3A_9 = tpu.vector_load %arg7[%get3A_8] {strides = array<i32>} : memref<128xf32, #tpu.memory_space<vmem>>, vector<16xf32>,
    %get3A_10 = arith.constant 64 : index
    %get3A_11 = tpu.vector_load %arg7[%get3A_10] {strides = array<i32>} : memref<128xf32, #tpu.memory_space<vmem>>, vector<16xf32>,
    %get3A_12 = arith.constant 80 : index
    %get3A_13 = tpu.vector_load %arg7[%get3A_12] {strides = array<i32>} : memref<128xf32, #tpu.memory_space<vmem>>, vector<16xf32>,
    %get3A_14 = arith.constant 96 : index
    %get3A_15 = tpu.vector_load %arg7[%get3A_14] {strides = array<i32>} : memref<128xf32, #tpu.memory_space<vmem>>, vector<16xf32>,
    %get3A_16 = arith.constant 112 : index
    %get3A_17 = tpu.vector_load %arg7[%get3A_16] {strides = array<i32>} : memref<128xf32, #tpu.memory_space<vmem>>, vector<16xf32>,
    %get3A_18 = arith.constant 0 : i32
    %get3A_19 = arith.index_cast %get3A_18 : i32 to index
    %get3A_20 = arith.constant 0 : index
    %get3A_21 = tpu.vector_load %arg6[%get3A_19, %get3A_20] {strides = array<i32>} : memref<200x128xi32, #tpu.memory_space<vmem>>, vector<16xi32>,
    %max3A = arith.constant 0 : i32
    %max3A_22 = vector.broadcast %max3A : i32 to vector<16xi32>
    %max3A_23 = arith.maxsi %get3A_21, %max3A_22 : vector<16xi32>
    %min3A = arith.constant 99999 : i32
    %min3A_24 = vector.broadcast %min3A : i32 to vector<16xi32>
    %min3A_25 = arith.minsi %max3A_23, %min3A_24 : vector<16xi32>
    %swap3A = arith.constant 0 : i32
    %swap3A_26 = arith.index_cast %swap3A : i32 to index
    %swap3A_27 = arith.constant 0 : index
    %swap3A_28 = tpu.vector_load %arg6[%swap3A_26, %swap3A_27] {strides = array<i32>} : memref<200x128xi32, #tpu.memory_space<vmem>>, vector<16xi32>,
    tpu.vector_store %arg6[%swap3A_26, %swap3A_27], %min3A_25 {strides = array<i32>} : memref<200x128xi32, #tpu.memory_space<vmem>>, vector<16xi32>,
    %get3A_29 = arith.constant 0 : i32
    %get3A_30 = arith.index_cast %get3A_29 : i32 to index
    %get3A_31 = arith.constant 16 : index
    %get3A_32 = tpu.vector_load %arg6[%get3A_30, %get3A_31] {strides = array<i32>} : memref<200x128xi32, #tpu.memory_space<vmem>>, vector<16xi32>,
    %max3A_33 = arith.constant 0 : i32
    %max3A_34 = vector.broadcast %max3A_33 : i32 to vector<16xi32>
    %max3A_35 = arith.maxsi %get3A_32, %max3A_34 : vector<16xi32>
    %min3A_36 = arith.constant 99999 : i32
    %min3A_37 = vector.broadcast %min3A_36 : i32 to vector<16xi32>
    %min3A_38 = arith.minsi %max3A_35, %min3A_37 : vector<16xi32>
    %swap3A_39 = arith.constant 0 : i32
    %swap3A_40 = arith.index_cast %swap3A_39 : i32 to index
    %swap3A_41 = arith.constant 16 : index
    %swap3A_42 = tpu.vector_load %arg6[%swap3A_40, %swap3A_41] {strides = array<i32>} : memref<200x128xi32, #tpu.memory_space<vmem>>, vector<16xi32>,
    tpu.vector_store %arg6[%swap3A_40, %swap3A_41], %min3A_38 {strides = array<i32>} : memref<200x128xi32, #tpu.memory_space<vmem>>, vector<16xi32>,
    %get3A_43 = arith.constant 0 : i32
    %get3A_44 = arith.index_cast %get3A_43 : i32 to index
    %get3A_45 = arith.constant 32 : index
    %get3A_46 = tpu.vector_load %arg6[%get3A_44, %get3A_45] {strides = array<i32>} : memref<200x128xi32, #tpu.memory_space<vmem>>, vector<16xi32>,
    %max3A_47 = arith.constant 0 : i32
    %max3A_48 = vector.broadcast %max3A_47 : i32 to vector<16xi32>
    %max3A_49 = arith.maxsi %get3A_46, %max3A_48 : vector<16xi32>
    %min3A_50 = arith.constant 99999 : i32
    %min3A_51 = vector.broadcast %min3A_50 : i32 to vector<16xi32>
    %min3A_52 = arith.minsi %max3A_49, %min3A_51 : vector<16xi32>
    %swap3A_53 = arith.constant 0 : i32
    %swap3A_54 = arith.index_cast %swap3A_53 : i32 to index
    %swap3A_55 = arith.constant 32 : index
    %swap3A_56 = tpu.vector_load %arg6[%swap3A_54, %swap3A_55] {strides = array<i32>} : memref<200x128xi32, #tpu.memory_space<vmem>>, vector<16xi32>,
    tpu.vector_store %arg6[%swap3A_54, %swap3A_55], %min3A_52 {strides = array<i32>} : memref<200x128xi32, #tpu.memory_space<vmem>>, vector<16xi32>,
    %get3A_57 = arith.constant 0 : i32
    %get3A_58 = arith.index_cast %get3A_57 : i32 to index
    %get3A_59 = arith.constant 48 : index
    %get3A_60 = tpu.vector_load %arg6[%get3A_58, %get3A_59] {strides = array<i32>} : memref<200x128xi32, #tpu.memory_space<vmem>>, vector<16xi32>,
    %max3A_61 = arith.constant 0 : i32
    %max3A_62 = vector.broadcast %max3A_61 : i32 to vector<16xi32>
    %max3A_63 = arith.maxsi %get3A_60, %max3A_62 : vector<16xi32>
    %min3A_64 = arith.constant 99999 : i32
    %min3A_65 = vector.broadcast %min3A_64 : i32 to vector<16xi32>
    %min3A_66 = arith.minsi %max3A_63, %min3A_65 : vector<16xi32>
    %swap3A_67 = arith.constant 0 : i32
    %swap3A_68 = arith.index_cast %swap3A_67 : i32 to index
    %swap3A_69 = arith.constant 48 : index
    %swap3A_70 = tpu.vector_load %arg6[%swap3A_68, %swap3A_69] {strides = array<i32>} : memref<200x128xi32, #tpu.memory_space<vmem>>, vector<16xi32>,
    tpu.vector_store %arg6[%swap3A_68, %swap3A_69], %min3A_66 {strides = array<i32>} : memref<200x128xi32, #tpu.memory_space<vmem>>, vector<16xi32>,
    %get3A_71 = arith.constant 0 : i32
    %get3A_72 = arith.index_cast %get3A_71 : i32 to index
    %get3A_73 = arith.constant 64 : index
    %get3A_74 = tpu.vector_load %arg6[%get3A_72, %get3A_73] {strides = array<i32>} : memref<200x128xi32, #tpu.memory_space<vmem>>, vector<16xi32>,
    %max3A_75 = arith.constant 0 : i32
    %max3A_76 = vector.broadcast %max3A_75 : i32 to vector<16xi32>
    %max3A_77 = arith.maxsi %get3A_74, %max3A_76 : vector<16xi32>
    %min3A_78 = arith.constant 99999 : i32
    %min3A_79 = vector.broadcast %min3A_78 : i32 to vector<16xi32>
    %min3A_80 = arith.minsi %max3A_77, %min3A_79 : vector<16xi32>
    %swap3A_81 = arith.constant 0 : i32
    %swap3A_82 = arith.index_cast %swap3A_81 : i32 to index
    %swap3A_83 = arith.constant 64 : index
    %swap3A_84 = tpu.vector_load %arg6[%swap3A_82, %swap3A_83] {strides = array<i32>} : memref<200x128xi32, #tpu.memory_space<vmem>>, vector<16xi32>,
    tpu.vector_store %arg6[%swap3A_82, %swap3A_83], %min3A_80 {strides = array<i32>} : memref<200x128xi32, #tpu.memory_space<vmem>>, vector<16xi32>,
    %get3A_85 = arith.constant 0 : i32
    %get3A_86 = arith.index_cast %get3A_85 : i32 to index
    %get3A_87 = arith.constant 80 : index
    %get3A_88 = tpu.vector_load %arg6[%get3A_86, %get3A_87] {strides = array<i32>} : memref<200x128xi32, #tpu.memory_space<vmem>>, vector<16xi32>,
    %max3A_89 = arith.constant 0 : i32
    %max3A_90 = vector.broadcast %max3A_89 : i32 to vector<16xi32>
    %max3A_91 = arith.maxsi %get3A_88, %max3A_90 : vector<16xi32>
    %min3A_92 = arith.constant 99999 : i32
    %min3A_93 = vector.broadcast %min3A_92 : i32 to vector<16xi32>
    %min3A_94 = arith.minsi %max3A_91, %min3A_93 : vector<16xi32>
    %swap3A_95 = arith.constant 0 : i32
    %swap3A_96 = arith.index_cast %swap3A_95 : i32 to index
    %swap3A_97 = arith.constant 80 : index
    %swap3A_98 = tpu.vector_load %arg6[%swap3A_96, %swap3A_97] {strides = array<i32>} : memref<200x128xi32, #tpu.memory_space<vmem>>, vector<16xi32>,
    tpu.vector_store %arg6[%swap3A_96, %swap3A_97], %min3A_94 {strides = array<i32>} : memref<200x128xi32, #tpu.memory_space<vmem>>, vector<16xi32>,
    %get3A_99 = arith.constant 0 : i32
    %get3A_100 = arith.index_cast %get3A_99 : i32 to index
    %get3A_101 = arith.constant 96 : index
    %get3A_102 = tpu.vector_load %arg6[%get3A_100, %get3A_101] {strides = array<i32>} : memref<200x128xi32, #tpu.memory_space<vmem>>, vector<16xi32>,
    %max3A_103 = arith.constant 0 : i32
    %max3A_104 = vector.broadcast %max3A_103 : i32 to vector<16xi32>
    %max3A_105 = arith.maxsi %get3A_102, %max3A_104 : vector<16xi32>
    %min3A_106 = arith.constant 99999 : i32
    %min3A_107 = vector.broadcast %min3A_106 : i32 to vector<16xi32>
    %min3A_108 = arith.minsi %max3A_105, %min3A_107 : vector<16xi32>
    %swap3A_109 = arith.constant 0 : i32
    %swap3A_110 = arith.index_cast %swap3A_109 : i32 to index
    %swap3A_111 = arith.constant 96 : index
    %swap3A_112 = tpu.vector_load %arg6[%swap3A_110, %swap3A_111] {strides = array<i32>} : memref<200x128xi32, #tpu.memory_space<vmem>>, vector<16xi32>,
    tpu.vector_store %arg6[%swap3A_110, %swap3A_111], %min3A_108 {strides = array<i32>} : memref<200x128xi32, #tpu.memory_space<vmem>>, vector<16xi32>,
    %get3A_113 = arith.constant 0 : i32
    %get3A_114 = arith.index_cast %get3A_113 : i32 to index
    %get3A_115 = arith.constant 112 : index
    %get3A_116 = tpu.vector_load %arg6[%get3A_114, %get3A_115] {strides = array<i32>} : memref<200x128xi32, #tpu.memory_space<vmem>>, vector<16xi32>,
    %max3A_117 = arith.constant 0 : i32
    %max3A_118 = vector.broadcast %max3A_117 : i32 to vector<16xi32>
    %max3A_119 = arith.maxsi %get3A_116, %max3A_118 : vector<16xi32>
    %min3A_120 = arith.constant 99999 : i32
    %min3A_121 = vector.broadcast %min3A_120 : i32 to vector<16xi32>
    %min3A_122 = arith.minsi %max3A_119, %min3A_121 : vector<16xi32>
    %swap3A_123 = arith.constant 0 : i32
    %swap3A_124 = arith.index_cast %swap3A_123 : i32 to index
    %swap3A_125 = arith.constant 112 : index
    %swap3A_126 = tpu.vector_load %arg6[%swap3A_124, %swap3A_125] {strides = array<i32>} : memref<200x128xi32, #tpu.memory_space<vmem>>, vector<16xi32>,
    tpu.vector_store %arg6[%swap3A_124, %swap3A_125], %min3A_122 {strides = array<i32>} : memref<200x128xi32, #tpu.memory_space<vmem>>, vector<16xi32>,
    %rem3A = arith.constant 0 : i32
    %rem3A_127 = arith.constant 6 : i32
    %rem3A_128 = arith.remsi %rem3A, %rem3A_127 : i32
    %dma_start3A = arith.constant 0 : i32
    %dma_start3A_129 = arith.constant 0 : i32
    %dma_start3A_130 = arith.constant 0 : i32
    %dma_start3A_131 = tpu.memref_slice %arg8[%rem3A_128, %dma_start3A_129, %dma_start3A_130] : memref<6x128x128xf32, #tpu.memory_space<vmem>> -> memref<1x128x128xf32, #tpu.memory_space<vmem>>
    %dma_start3A_132 = tpu.memref_squeeze %dma_start3A_131 : memref<1x128x128xf32, #tpu.memory_space<vmem>> -> memref<128x128xf32, #tpu.memory_space<vmem>>
    %dma_start3A_133 = arith.constant 0 : i32
    %dma_start3A_134 = tpu.memref_slice %arg6[%dma_start3A, %dma_start3A_133] : memref<200x128xi32, #tpu.memory_space<vmem>> -> memref<1x128xi32, #tpu.memory_space<vmem>>
    %dma_start3A_135 = tpu.memref_squeeze %dma_start3A_134 : memref<1x128xi32, #tpu.memory_space<vmem>> -> memref<128xi32, #tpu.memory_space<vmem>>
    %dma_start3A_136 = arith.constant 0 : i32
    %dma_start3A_137 = arith.constant 0 : i32
    %dma_start3A_138 = tpu.memref_slice %arg3[%dma_start3A_136, %dma_start3A_137] : memref<100000x128xf32, #tpu.memory_space<hbm>> -> memref<100000x128xf32, #tpu.memory_space<hbm>>
    %dma_start3A_139 = tpu.memref_slice %arg9[%rem3A_128] : memref<6x!tpu.dma_semaphore, #tpu.memory_space<semaphore_mem>> -> memref<1x!tpu.dma_semaphore, #tpu.memory_space<semaphore_mem>>
    %dma_start3A_140 = tpu.memref_squeeze %dma_start3A_139 : memref<1x!tpu.dma_semaphore, #tpu.memory_space<semaphore_mem>> -> memref<!tpu.dma_semaphore, #tpu.memory_space<semaphore_mem>>
    tpu.enqueue_indirect_dma source(%dma_start3A_138 : memref<100000x128xf32, #tpu.memory_space<hbm>>) target(%dma_start3A_132 : memref<128x128xf32, #tpu.memory_space<vmem>>) offsets(%dma_start3A_135 : memref<128xi32, #tpu.memory_space<vmem>>) semaphore(%dma_start3A_140 : memref<!tpu.dma_semaphore, #tpu.memory_space<semaphore_mem>>)
    %get3A_141 = arith.constant 1 : i32
    %get3A_142 = arith.index_cast %get3A_141 : i32 to index
    %get3A_143 = arith.constant 0 : index
    %get3A_144 = tpu.vector_load %arg6[%get3A_142, %get3A_143] {strides = array<i32>} : memref<200x128xi32, #tpu.memory_space<vmem>>, vector<16xi32>,
    %max3A_145 = arith.constant 0 : i32
    %max3A_146 = vector.broadcast %max3A_145 : i32 to vector<16xi32>
    %max3A_147 = arith.maxsi %get3A_144, %max3A_146 : vector<16xi32>
    %min3A_148 = arith.constant 99999 : i32
    %min3A_149 = vector.broadcast %min3A_148 : i32 to vector<16xi32>
    %min3A_150 = arith.minsi %max3A_147, %min3A_149 : vector<16xi32>
    %swap3A_151 = arith.constant 1 : i32
    %swap3A_152 = arith.index_cast %swap3A_151 : i32 to index
    %swap3A_153 = arith.constant 0 : index
    %swap3A_154 = tpu.vector_load %arg6[%swap3A_152, %swap3A_153] {strides = array<i32>} : memref<200x128xi32, #tpu.memory_space<vmem>>, vector<16xi32>,
    tpu.vector_store %arg6[%swap3A_152, %swap3A_153], %min3A_150 {strides = array<i32>} : memref<200x128xi32, #tpu.memory_space<vmem>>, vector<16xi32>,
    %get3A_155 = arith.constant 1 : i32
    %get3A_156 = arith.index_cast %get3A_155 : i32 to index
    %get3A_157 = arith.constant 16 : index
    %get3A_158 = tpu.vector_load %arg6[%get3A_156, %get3A_157] {strides = array<i32>} : memref<200x128xi32, #tpu.memory_space<vmem>>, vector<16xi32>,
    %max3A_159 = arith.constant 0 : i32
    %max3A_160 = vector.broadcast %max3A_159 : i32 to vector<16xi32>
    %max3A_161 = arith.maxsi %get3A_158, %max3A_160 : vector<16xi32>
    %min3A_162 = arith.constant 99999 : i32
    %min3A_163 = vector.broadcast %min3A_162 : i32 to vector<16xi32>
    %min3A_164 = arith.minsi %max3A_161, %min3A_163 : vector<16xi32>
    %swap3A_165 = arith.constant 1 : i32
    %swap3A_166 = arith.index_cast %swap3A_165 : i32 to index
    %swap3A_167 = arith.constant 16 : index
    %swap3A_168 = tpu.vector_load %arg6[%swap3A_166, %swap3A_167] {strides = array<i32>} : memref<200x128xi32, #tpu.memory_space<vmem>>, vector<16xi32>,
    tpu.vector_store %arg6[%swap3A_166, %swap3A_167], %min3A_164 {strides = array<i32>} : memref<200x128xi32, #tpu.memory_space<vmem>>, vector<16xi32>,
    %get3A_169 = arith.constant 1 : i32
    %get3A_170 = arith.index_cast %get3A_169 : i32 to index
    %get3A_171 = arith.constant 32 : index
    %get3A_172 = tpu.vector_load %arg6[%get3A_170, %get3A_171] {strides = array<i32>} : memref<200x128xi32, #tpu.memory_space<vmem>>, vector<16xi32>,
    %max3A_173 = arith.constant 0 : i32
    %max3A_174 = vector.broadcast %max3A_173 : i32 to vector<16xi32>
    %max3A_175 = arith.maxsi %get3A_172, %max3A_174 : vector<16xi32>
    %min3A_176 = arith.constant 99999 : i32
    %min3A_177 = vector.broadcast %min3A_176 : i32 to vector<16xi32>
    %min3A_178 = arith.minsi %max3A_175, %min3A_177 : vector<16xi32>
    %swap3A_179 = arith.constant 1 : i32
    %swap3A_180 = arith.index_cast %swap3A_179 : i32 to index
    %swap3A_181 = arith.constant 32 : index
    %swap3A_182 = tpu.vector_load %arg6[%swap3A_180, %swap3A_181] {strides = array<i32>} : memref<200x128xi32, #tpu.memory_space<vmem>>, vector<16xi32>,
    tpu.vector_store %arg6[%swap3A_180, %swap3A_181], %min3A_178 {strides = array<i32>} : memref<200x128xi32, #tpu.memory_space<vmem>>, vector<16xi32>,
    %get3A_183 = arith.constant 1 : i32
    %get3A_184 = arith.index_cast %get3A_183 : i32 to index
    %get3A_185 = arith.constant 48 : index
    %get3A_186 = tpu.vector_load %arg6[%get3A_184, %get3A_185] {strides = array<i32>} : memref<200x128xi32, #tpu.memory_space<vmem>>, vector<16xi32>,
    %max3A_187 = arith.constant 0 : i32
    %max3A_188 = vector.broadcast %max3A_187 : i32 to vector<16xi32>
    %max3A_189 = arith.maxsi %get3A_186, %max3A_188 : vector<16xi32>
    %min3A_190 = arith.constant 99999 : i32
    %min3A_191 = vector.broadcast %min3A_190 : i32 to vector<16xi32>
    %min3A_192 = arith.minsi %max3A_189, %min3A_191 : vector<16xi32>
    %swap3A_193 = arith.constant 1 : i32
    %swap3A_194 = arith.index_cast %swap3A_193 : i32 to index
    %swap3A_195 = arith.constant 48 : index
    %swap3A_196 = tpu.vector_load %arg6[%swap3A_194, %swap3A_195] {strides = array<i32>} : memref<200x128xi32, #tpu.memory_space<vmem>>, vector<16xi32>,
    tpu.vector_store %arg6[%swap3A_194, %swap3A_195], %min3A_192 {strides = array<i32>} : memref<200x128xi32, #tpu.memory_space<vmem>>, vector<16xi32>,
    %get3A_197 = arith.constant 1 : i32
    %get3A_198 = arith.index_cast %get3A_197 : i32 to index
    %get3A_199 = arith.constant 64 : index
    %get3A_200 = tpu.vector_load %arg6[%get3A_198, %get3A_199] {strides = array<i32>} : memref<200x128xi32, #tpu.memory_space<vmem>>, vector<16xi32>,
    %max3A_201 = arith.constant 0 : i32
    %max3A_202 = vector.broadcast %max3A_201 : i32 to vector<16xi32>
    %max3A_203 = arith.maxsi %get3A_200, %max3A_202 : vector<16xi32>
    %min3A_204 = arith.constant 99999 : i32
    %min3A_205 = vector.broadcast %min3A_204 : i32 to vector<16xi32>
    %min3A_206 = arith.minsi %max3A_203, %min3A_205 : vector<16xi32>
    %swap3A_207 = arith.constant 1 : i32
    %swap3A_208 = arith.index_cast %swap3A_207 : i32 to index
    %swap3A_209 = arith.constant 64 : index
    %swap3A_210 = tpu.vector_load %arg6[%swap3A_208, %swap3A_209] {strides = array<i32>} : memref<200x128xi32, #tpu.memory_space<vmem>>, vector<16xi32>,
    tpu.vector_store %arg6[%swap3A_208, %swap3A_209], %min3A_206 {strides = array<i32>} : memref<200x128xi32, #tpu.memory_space<vmem>>, vector<16xi32>,
    %get3A_211 = arith.constant 1 : i32
    %get3A_212 = arith.index_cast %get3A_211 : i32 to index
    %get3A_213 = arith.constant 80 : index
    %get3A_214 = tpu.vector_load %arg6[%get3A_212, %get3A_213] {strides = array<i32>} : memref<200x128xi32, #tpu.memory_space<vmem>>, vector<16xi32>,
    %max3A_215 = arith.constant 0 : i32
    %max3A_216 = vector.broadcast %max3A_215 : i32 to vector<16xi32>
    %max3A_217 = arith.maxsi %get3A_214, %max3A_216 : vector<16xi32>
    %min3A_218 = arith.constant 99999 : i32
    %min3A_219 = vector.broadcast %min3A_218 : i32 to vector<16xi32>
    %min3A_220 = arith.minsi %max3A_217, %min3A_219 : vector<16xi32>
    %swap3A_221 = arith.constant 1 : i32
    %swap3A_222 = arith.index_cast %swap3A_221 : i32 to index
    %swap3A_223 = arith.constant 80 : index
    %swap3A_224 = tpu.vector_load %arg6[%swap3A_222, %swap3A_223] {strides = array<i32>} : memref<200x128xi32, #tpu.memory_space<vmem>>, vector<16xi32>,
    tpu.vector_store %arg6[%swap3A_222, %swap3A_223], %min3A_220 {strides = array<i32>} : memref<200x128xi32, #tpu.memory_space<vmem>>, vector<16xi32>,
    %get3A_225 = arith.constant 1 : i32
    %get3A_226 = arith.index_cast %get3A_225 : i32 to index
    %get3A_227 = arith.constant 96 : index
    %get3A_228 = tpu.vector_load %arg6[%get3A_226, %get3A_227] {strides = array<i32>} : memref<200x128xi32, #tpu.memory_space<vmem>>, vector<16xi32>,
    %max3A_229 = arith.constant 0 : i32
    %max3A_230 = vector.broadcast %max3A_229 : i32 to vector<16xi32>
    %max3A_231 = arith.maxsi %get3A_228, %max3A_230 : vector<16xi32>
    %min3A_232 = arith.constant 99999 : i32
    %min3A_233 = vector.broadcast %min3A_232 : i32 to vector<16xi32>
    %min3A_234 = arith.minsi %max3A_231, %min3A_233 : vector<16xi32>
    %swap3A_235 = arith.constant 1 : i32
    %swap3A_236 = arith.index_cast %swap3A_235 : i32 to index
    %swap3A_237 = arith.constant 96 : index
    %swap3A_238 = tpu.vector_load %arg6[%swap3A_236, %swap3A_237] {strides = array<i32>} : memref<200x128xi32, #tpu.memory_space<vmem>>, vector<16xi32>,
    tpu.vector_store %arg6[%swap3A_236, %swap3A_237], %min3A_234 {strides = array<i32>} : memref<200x128xi32, #tpu.memory_space<vmem>>, vector<16xi32>,
    %get3A_239 = arith.constant 1 : i32
    %get3A_240 = arith.index_cast %get3A_239 : i32 to index
    %get3A_241 = arith.constant 112 : index
    %get3A_242 = tpu.vector_load %arg6[%get3A_240, %get3A_241] {strides = array<i32>} : memref<200x128xi32, #tpu.memory_space<vmem>>, vector<16xi32>,
    %max3A_243 = arith.constant 0 : i32
    %max3A_244 = vector.broadcast %max3A_243 : i32 to vector<16xi32>
    %max3A_245 = arith.maxsi %get3A_242, %max3A_244 : vector<16xi32>
    %min3A_246 = arith.constant 99999 : i32
    %min3A_247 = vector.broadcast %min3A_246 : i32 to vector<16xi32>
    %min3A_248 = arith.minsi %max3A_245, %min3A_247 : vector<16xi32>
    %swap3A_249 = arith.constant 1 : i32
    %swap3A_250 = arith.index_cast %swap3A_249 : i32 to index
    %swap3A_251 = arith.constant 112 : index
    %swap3A_252 = tpu.vector_load %arg6[%swap3A_250, %swap3A_251] {strides = array<i32>} : memref<200x128xi32, #tpu.memory_space<vmem>>, vector<16xi32>,
    tpu.vector_store %arg6[%swap3A_250, %swap3A_251], %min3A_248 {strides = array<i32>} : memref<200x128xi32, #tpu.memory_space<vmem>>, vector<16xi32>,
    %rem3A_253 = arith.constant 1 : i32
    %rem3A_254 = arith.constant 6 : i32
    %rem3A_255 = arith.remsi %rem3A_253, %rem3A_254 : i32
    %dma_start3A_256 = arith.constant 1 : i32
    %dma_start3A_257 = arith.constant 0 : i32
    %dma_start3A_258 = arith.constant 0 : i32
    %dma_start3A_259 = tpu.memref_slice %arg8[%rem3A_255, %dma_start3A_257, %dma_start3A_258] : memref<6x128x128xf32, #tpu.memory_space<vmem>> -> memref<1x128x128xf32, #tpu.memory_space<vmem>>
    %dma_start3A_260 = tpu.memref_squeeze %dma_start3A_259 : memref<1x128x128xf32, #tpu.memory_space<vmem>> -> memref<128x128xf32, #tpu.memory_space<vmem>>
    %dma_start3A_261 = arith.constant 0 : i32
    %dma_start3A_262 = tpu.memref_slice %arg6[%dma_start3A_256, %dma_start3A_261] : memref<200x128xi32, #tpu.memory_space<vmem>> -> memref<1x128xi32, #tpu.memory_space<vmem>>
    %dma_start3A_263 = tpu.memref_squeeze %dma_start3A_262 : memref<1x128xi32, #tpu.memory_space<vmem>> -> memref<128xi32, #tpu.memory_space<vmem>>
    %dma_start3A_264 = arith.constant 0 : i32
    %dma_start3A_265 = arith.constant 0 : i32
    %dma_start3A_266 = tpu.memref_slice %arg3[%dma_start3A_264, %dma_start3A_265] : memref<100000x128xf32, #tpu.memory_space<hbm>> -> memref<100000x128xf32, #tpu.memory_space<hbm>>
    %dma_start3A_267 = tpu.memref_slice %arg9[%rem3A_255] : memref<6x!tpu.dma_semaphore, #tpu.memory_space<semaphore_mem>> -> memref<1x!tpu.dma_semaphore, #tpu.memory_space<semaphore_mem>>
    %dma_start3A_268 = tpu.memref_squeeze %dma_start3A_267 : memref<1x!tpu.dma_semaphore, #tpu.memory_space<semaphore_mem>> -> memref<!tpu.dma_semaphore, #tpu.memory_space<semaphore_mem>>
    tpu.enqueue_indirect_dma source(%dma_start3A_266 : memref<100000x128xf32, #tpu.memory_space<hbm>>) target(%dma_start3A_260 : memref<128x128xf32, #tpu.memory_space<vmem>>) offsets(%dma_start3A_263 : memref<128xi32, #tpu.memory_space<vmem>>) semaphore(%dma_start3A_268 : memref<!tpu.dma_semaphore, #tpu.memory_space<semaphore_mem>>)
    %get3A_269 = arith.constant 2 : i32
    %get3A_270 = arith.index_cast %get3A_269 : i32 to index
    %get3A_271 = arith.constant 0 : index
    %get3A_272 = tpu.vector_load %arg6[%get3A_270, %get3A_271] {strides = array<i32>} : memref<200x128xi32, #tpu.memory_space<vmem>>, vector<16xi32>,
    %max3A_273 = arith.constant 0 : i32
    %max3A_274 = vector.broadcast %max3A_273 : i32 to vector<16xi32>
    %max3A_275 = arith.maxsi %get3A_272, %max3A_274 : vector<16xi32>
    %min3A_276 = arith.constant 99999 : i32
    %min3A_277 = vector.broadcast %min3A_276 : i32 to vector<16xi32>
    %min3A_278 = arith.minsi %max3A_275, %min3A_277 : vector<16xi32>
    %swap3A_279 = arith.constant 2 : i32
    %swap3A_280 = arith.index_cast %swap3A_279 : i32 to index
    %swap3A_281 = arith.constant 0 : index
    %swap3A_282 = tpu.vector_load %arg6[%swap3A_280, %swap3A_281] {strides = array<i32>} : memref<200x128xi32, #tpu.memory_space<vmem>>, vector<16xi32>,
    tpu.vector_store %arg6[%swap3A_280, %swap3A_281], %min3A_278 {strides = array<i32>} : memref<200x128xi32, #tpu.memory_space<vmem>>, vector<16xi32>,
    %get3A_283 = arith.constant 2 : i32
    %get3A_284 = arith.index_cast %get3A_283 : i32 to index
    %get3A_285 = arith.constant 16 : index
    %get3A_286 = tpu.vector_load %arg6[%get3A_284, %get3A_285] {strides = array<i32>} : memref<200x128xi32, #tpu.memory_space<vmem>>, vector<16xi32>,
    %max3A_287 = arith.constant 0 : i32
    %max3A_288 = vector.broadcast %max3A_287 : i32 to vector<16xi32>
    %max3A_289 = arith.maxsi %get3A_286, %max3A_288 : vector<16xi32>
    %min3A_290 = arith.constant 99999 : i32
    %min3A_291 = vector.broadcast %min3A_290 : i32 to vector<16xi32>
    %min3A_292 = arith.minsi %max3A_289, %min3A_291 : vector<16xi32>
    %swap3A_293 = arith.constant 2 : i32
    %swap3A_294 = arith.index_cast %swap3A_293 : i32 to index
    %swap3A_295 = arith.constant 16 : index
    %swap3A_296 = tpu.vector_load %arg6[%swap3A_294, %swap3A_295] {strides = array<i32>} : memref<200x128xi32, #tpu.memory_space<vmem>>, vector<16xi32>,
    tpu.vector_store %arg6[%swap3A_294, %swap3A_295], %min3A_292 {strides = array<i32>} : memref<200x128xi32, #tpu.memory_space<vmem>>, vector<16xi32>,
    %get3A_297 = arith.constant 2 : i32
    %get3A_298 = arith.index_cast %get3A_297 : i32 to index
    %get3A_299 = arith.constant 32 : index
    %get3A_300 = tpu.vector_load %arg6[%get3A_298, %get3A_299] {strides = array<i32>} : memref<200x128xi32, #tpu.memory_space<vmem>>, vector<16xi32>,
    %max3A_301 = arith.constant 0 : i32
    %max3A_302 = vector.broadcast %max3A_301 : i32 to vector<16xi32>
    %max3A_303 = arith.maxsi %get3A_300, %max3A_302 : vector<16xi32>
    %min3A_304 = arith.constant 99999 : i32
    %min3A_305 = vector.broadcast %min3A_304 : i32 to vector<16xi32>
    %min3A_306 = arith.minsi %max3A_303, %min3A_305 : vector<16xi32>
    %swap3A_307 = arith.constant 2 : i32
    %swap3A_308 = arith.index_cast %swap3A_307 : i32 to index
    %swap3A_309 = arith.constant 32 : index
    %swap3A_310 = tpu.vector_load %arg6[%swap3A_308, %swap3A_309] {strides = array<i32>} : memref<200x128xi32, #tpu.memory_space<vmem>>, vector<16xi32>,
    tpu.vector_store %arg6[%swap3A_308, %swap3A_309], %min3A_306 {strides = array<i32>} : memref<200x128xi32, #tpu.memory_space<vmem>>, vector<16xi32>,
    %get3A_311 = arith.constant 2 : i32
    %get3A_312 = arith.index_cast %get3A_311 : i32 to index
    %get3A_313 = arith.constant 48 : index
    %get3A_314 = tpu.vector_load %arg6[%get3A_312, %get3A_313] {strides = array<i32>} : memref<200x128xi32, #tpu.memory_space<vmem>>, vector<16xi32>,
    %max3A_315 = arith.constant 0 : i32
    %max3A_316 = vector.broadcast %max3A_315 : i32 to vector<16xi32>
    %max3A_317 = arith.maxsi %get3A_314, %max3A_316 : vector<16xi32>
    %min3A_318 = arith.constant 99999 : i32
    %min3A_319 = vector.broadcast %min3A_318 : i32 to vector<16xi32>
    %min3A_320 = arith.minsi %max3A_317, %min3A_319 : vector<16xi32>
    %swap3A_321 = arith.constant 2 : i32
    %swap3A_322 = arith.index_cast %swap3A_321 : i32 to index
    %swap3A_323 = arith.constant 48 : index
    %swap3A_324 = tpu.vector_load %arg6[%swap3A_322, %swap3A_323] {strides = array<i32>} : memref<200x128xi32, #tpu.memory_space<vmem>>, vector<16xi32>,
    tpu.vector_store %arg6[%swap3A_322, %swap3A_323], %min3A_320 {strides = array<i32>} : memref<200x128xi32, #tpu.memory_space<vmem>>, vector<16xi32>,
    %get3A_325 = arith.constant 2 : i32
    %get3A_326 = arith.index_cast %get3A_325 : i32 to index
    %get3A_327 = arith.constant 64 : index
    %get3A_328 = tpu.vector_load %arg6[%get3A_326, %get3A_327] {strides = array<i32>} : memref<200x128xi32, #tpu.memory_space<vmem>>, vector<16xi32>,
    %max3A_329 = arith.constant 0 : i32
    %max3A_330 = vector.broadcast %max3A_329 : i32 to vector<16xi32>
    %max3A_331 = arith.maxsi %get3A_328, %max3A_330 : vector<16xi32>
    %min3A_332 = arith.constant 99999 : i32
    %min3A_333 = vector.broadcast %min3A_332 : i32 to vector<16xi32>
    %min3A_334 = arith.minsi %max3A_331, %min3A_333 : vector<16xi32>
    %swap3A_335 = arith.constant 2 : i32
    %swap3A_336 = arith.index_cast %swap3A_335 : i32 to index
    %swap3A_337 = arith.constant 64 : index
    %swap3A_338 = tpu.vector_load %arg6[%swap3A_336, %swap3A_337] {strides = array<i32>} : memref<200x128xi32, #tpu.memory_space<vmem>>, vector<16xi32>,
    tpu.vector_store %arg6[%swap3A_336, %swap3A_337], %min3A_334 {strides = array<i32>} : memref<200x128xi32, #tpu.memory_space<vmem>>, vector<16xi32>,
    %get3A_339 = arith.constant 2 : i32
    %get3A_340 = arith.index_cast %get3A_339 : i32 to index
    %get3A_341 = arith.constant 80 : index
    %get3A_342 = tpu.vector_load %arg6[%get3A_340, %get3A_341] {strides = array<i32>} : memref<200x128xi32, #tpu.memory_space<vmem>>, vector<16xi32>,
    %max3A_343 = arith.constant 0 : i32
    %max3A_344 = vector.broadcast %max3A_343 : i32 to vector<16xi32>
    %max3A_345 = arith.maxsi %get3A_342, %max3A_344 : vector<16xi32>
    %min3A_346 = arith.constant 99999 : i32
    %min3A_347 = vector.broadcast %min3A_346 : i32 to vector<16xi32>
    %min3A_348 = arith.minsi %max3A_345, %min3A_347 : vector<16xi32>
    %swap3A_349 = arith.constant 2 : i32
    %swap3A_350 = arith.index_cast %swap3A_349 : i32 to index
    %swap3A_351 = arith.constant 80 : index
    %swap3A_352 = tpu.vector_load %arg6[%swap3A_350, %swap3A_351] {strides = array<i32>} : memref<200x128xi32, #tpu.memory_space<vmem>>, vector<16xi32>,
    tpu.vector_store %arg6[%swap3A_350, %swap3A_351], %min3A_348 {strides = array<i32>} : memref<200x128xi32, #tpu.memory_space<vmem>>, vector<16xi32>,
    %get3A_353 = arith.constant 2 : i32
    %get3A_354 = arith.index_cast %get3A_353 : i32 to index
    %get3A_355 = arith.constant 96 : index
    %get3A_356 = tpu.vector_load %arg6[%get3A_354, %get3A_355] {strides = array<i32>} : memref<200x128xi32, #tpu.memory_space<vmem>>, vector<16xi32>,
    %max3A_357 = arith.constant 0 : i32
    %max3A_358 = vector.broadcast %max3A_357 : i32 to vector<16xi32>
    %max3A_359 = arith.maxsi %get3A_356, %max3A_358 : vector<16xi32>
    %min3A_360 = arith.constant 99999 : i32
    %min3A_361 = vector.broadcast %min3A_360 : i32 to vector<16xi32>
    %min3A_362 = arith.minsi %max3A_359, %min3A_361 : vector<16xi32>
    %swap3A_363 = arith.constant 2 : i32
    %swap3A_364 = arith.index_cast %swap3A_363 : i32 to index
    %swap3A_365 = arith.constant 96 : index
    %swap3A_366 = tpu.vector_load %arg6[%swap3A_364, %swap3A_365] {strides = array<i32>} : memref<200x128xi32, #tpu.memory_space<vmem>>, vector<16xi32>,
    tpu.vector_store %arg6[%swap3A_364, %swap3A_365], %min3A_362 {strides = array<i32>} : memref<200x128xi32, #tpu.memory_space<vmem>>, vector<16xi32>,
    %get3A_367 = arith.constant 2 : i32
    %get3A_368 = arith.index_cast %get3A_367 : i32 to index
    %get3A_369 = arith.constant 112 : index
    %get3A_370 = tpu.vector_load %arg6[%get3A_368, %get3A_369] {strides = array<i32>} : memref<200x128xi32, #tpu.memory_space<vmem>>, vector<16xi32>,
    %max3A_371 = arith.constant 0 : i32
    %max3A_372 = vector.broadcast %max3A_371 : i32 to vector<16xi32>
    %max3A_373 = arith.maxsi %get3A_370, %max3A_372 : vector<16xi32>
    %min3A_374 = arith.constant 99999 : i32
    %min3A_375 = vector.broadcast %min3A_374 : i32 to vector<16xi32>
    %min3A_376 = arith.minsi %max3A_373, %min3A_375 : vector<16xi32>
    %swap3A_377 = arith.constant 2 : i32
    %swap3A_378 = arith.index_cast %swap3A_377 : i32 to index
    %swap3A_379 = arith.constant 112 : index
    %swap3A_380 = tpu.vector_load %arg6[%swap3A_378, %swap3A_379] {strides = array<i32>} : memref<200x128xi32, #tpu.memory_space<vmem>>, vector<16xi32>,
    tpu.vector_store %arg6[%swap3A_378, %swap3A_379], %min3A_376 {strides = array<i32>} : memref<200x128xi32, #tpu.memory_space<vmem>>, vector<16xi32>,
    %rem3A_381 = arith.constant 2 : i32
    %rem3A_382 = arith.constant 6 : i32
    %rem3A_383 = arith.remsi %rem3A_381, %rem3A_382 : i32
    %dma_start3A_384 = arith.constant 2 : i32
    %dma_start3A_385 = arith.constant 0 : i32
    %dma_start3A_386 = arith.constant 0 : i32
    %dma_start3A_387 = tpu.memref_slice %arg8[%rem3A_383, %dma_start3A_385, %dma_start3A_386] : memref<6x128x128xf32, #tpu.memory_space<vmem>> -> memref<1x128x128xf32, #tpu.memory_space<vmem>>
    %dma_start3A_388 = tpu.memref_squeeze %dma_start3A_387 : memref<1x128x128xf32, #tpu.memory_space<vmem>> -> memref<128x128xf32, #tpu.memory_space<vmem>>
    %dma_start3A_389 = arith.constant 0 : i32
    %dma_start3A_390 = tpu.memref_slice %arg6[%dma_start3A_384, %dma_start3A_389] : memref<200x128xi32, #tpu.memory_space<vmem>> -> memref<1x128xi32, #tpu.memory_space<vmem>>
    %dma_start3A_391 = tpu.memref_squeeze %dma_start3A_390 : memref<1x128xi32, #tpu.memory_space<vmem>> -> memref<128xi32, #tpu.memory_space<vmem>>
    %dma_start3A_392 = arith.constant 0 : i32
    %dma_start3A_393 = arith.constant 0 : i32
    %dma_start3A_394 = tpu.memref_slice %arg3[%dma_start3A_392, %dma_start3A_393] : memref<100000x128xf32, #tpu.memory_space<hbm>> -> memref<100000x128xf32, #tpu.memory_space<hbm>>
    %dma_start3A_395 = tpu.memref_slice %arg9[%rem3A_383] : memref<6x!tpu.dma_semaphore, #tpu.memory_space<semaphore_mem>> -> memref<1x!tpu.dma_semaphore, #tpu.memory_space<semaphore_mem>>
    %dma_start3A_396 = tpu.memref_squeeze %dma_start3A_395 : memref<1x!tpu.dma_semaphore, #tpu.memory_space<semaphore_mem>> -> memref<!tpu.dma_semaphore, #tpu.memory_space<semaphore_mem>>
    tpu.enqueue_indirect_dma source(%dma_start3A_394 : memref<100000x128xf32, #tpu.memory_space<hbm>>) target(%dma_start3A_388 : memref<128x128xf32, #tpu.memory_space<vmem>>) offsets(%dma_start3A_391 : memref<128xi32, #tpu.memory_space<vmem>>) semaphore(%dma_start3A_396 : memref<!tpu.dma_semaphore, #tpu.memory_space<semaphore_mem>>)
    %scan3A = arith.constant 0 : i32
    %scan3A_397 = arith.constant 0 : i32
    %scan3A_398 = arith.constant 200 : i32
    %scan3A_399 = arith.addi %scan3A_397, %scan3A_398 : i32
    %scan3A_400 = arith.constant 1 : i32
    scf.for %scan3A_515 = %scan3A_397 to %scan3A_399 step %scan3A_400  : i32 {
      %rem3A_516 = arith.constant 6 : i32
      %rem3A_517 = arith.remsi %scan3A_515, %rem3A_516 : i32
      %add3A_518 = arith.constant 3 : i32
      %add3A_519 = arith.addi %scan3A_515, %add3A_518 : i32
      %rem3A_520 = arith.constant 6 : i32
      %rem3A_521 = arith.remsi %add3A_519, %rem3A_520 : i32
      %lt3A = arith.constant 200 : i32
      %lt3A_522 = arith.cmpi slt, %add3A_519, %lt3A : i32
      %ge3A = arith.constant 6 : i32
      %ge3A_523 = arith.cmpi sge, %add3A_519, %ge3A : i32
      %and3A = arith.andi %lt3A_522, %ge3A_523 : i1
      %convert_element_type3A = arith.extui %and3A : i1 to i32
      %cond3A = arith.constant 0 : i32
      %cond3A_524 = arith.cmpi ne, %convert_element_type3A, %cond3A : i32
      scf.if %cond3A_524 {
        %sub3A = arith.constant 6 : i32
        %sub3A_561 = arith.subi %add3A_519, %sub3A : i32
        %mul3A_562 = arith.constant 128 : i32
        %mul3A_563 = arith.muli %sub3A_561, %mul3A_562 : i32
        %add3A_564 = arith.addi %mul3A_2, %mul3A_563 : i32
        %dma_wait3A_565 = arith.constant 0 : i32
        %dma_wait3A_566 = arith.constant 0 : i32
        %dma_wait3A_567 = tpu.memref_slice %arg8[%rem3A_521, %dma_wait3A_565, %dma_wait3A_566] : memref<6x128x128xf32, #tpu.memory_space<vmem>> -> memref<1x128x128xf32, #tpu.memory_space<vmem>>
        %dma_wait3A_568 = tpu.memref_squeeze %dma_wait3A_567 : memref<1x128x128xf32, #tpu.memory_space<vmem>> -> memref<128x128xf32, #tpu.memory_space<vmem>>
        %dma_wait3A_569 = arith.constant 0 : i32
        %dma_wait3A_570 = tpu.memref_slice %arg5[%add3A_564, %dma_wait3A_569] : memref<819200x128xf32, #tpu.memory_space<hbm>> -> memref<128x128xf32, #tpu.memory_space<hbm>>
        %dma_wait3A_571 = tpu.memref_slice %arg10[%rem3A_521] : memref<6x!tpu.dma_semaphore, #tpu.memory_space<semaphore_mem>> -> memref<1x!tpu.dma_semaphore, #tpu.memory_space<semaphore_mem>>
        %dma_wait3A_572 = tpu.memref_squeeze %dma_wait3A_571 : memref<1x!tpu.dma_semaphore, #tpu.memory_space<semaphore_mem>> -> memref<!tpu.dma_semaphore, #tpu.memory_space<semaphore_mem>>
        %dma_wait3A_573 = arith.constant 0 : i32
        %dma_wait3A_574 = tpu.memref_slice %arg5[%add3A_564, %dma_wait3A_573] : memref<819200x128xf32, #tpu.memory_space<hbm>> -> memref<128x128xf32, #tpu.memory_space<hbm>>
        %dma_wait3A_575 = arith.constant 0 : i32
        %dma_wait3A_576 = arith.constant 0 : i32
        %dma_wait3A_577 = tpu.memref_slice %arg8[%rem3A_521, %dma_wait3A_575, %dma_wait3A_576] : memref<6x128x128xf32, #tpu.memory_space<vmem>> -> memref<1x128x128xf32, #tpu.memory_space<vmem>>
        %dma_wait3A_578 = tpu.memref_squeeze %dma_wait3A_577 : memref<1x128x128xf32, #tpu.memory_space<vmem>> -> memref<128x128xf32, #tpu.memory_space<vmem>>
        tpu.wait_dma2 semaphore(%dma_wait3A_572 : memref<!tpu.dma_semaphore, #tpu.memory_space<semaphore_mem>>) src(%dma_wait3A_578 : memref<128x128xf32, #tpu.memory_space<vmem>>) dst(%dma_wait3A_574 : memref<128x128xf32, #tpu.memory_space<hbm>>)
      } else {
      }
      %lt3A_525 = arith.constant 200 : i32
      %lt3A_526 = arith.cmpi slt, %add3A_519, %lt3A_525 : i32
      %convert_element_type3A_527 = arith.extui %lt3A_526 : i1 to i32
      %cond3A_528 = arith.constant 0 : i32
      %cond3A_529 = arith.cmpi ne, %convert_element_type3A_527, %cond3A_528 : i32
      scf.if %cond3A_529 {
        %get3A_561 = arith.index_cast %add3A_519 : i32 to index
        %get3A_562 = arith.constant 0 : index
        %get3A_563 = tpu.vector_load %arg6[%get3A_561, %get3A_562] {strides = array<i32>} : memref<200x128xi32, #tpu.memory_space<vmem>>, vector<16xi32>,
        %max3A_564 = arith.constant 0 : i32
        %max3A_565 = vector.broadcast %max3A_564 : i32 to vector<16xi32>
        %max3A_566 = arith.maxsi %get3A_563, %max3A_565 : vector<16xi32>
        %min3A_567 = arith.constant 99999 : i32
        %min3A_568 = vector.broadcast %min3A_567 : i32 to vector<16xi32>
        %min3A_569 = arith.minsi %max3A_566, %min3A_568 : vector<16xi32>
        %swap3A_570 = arith.index_cast %add3A_519 : i32 to index
        %swap3A_571 = arith.constant 0 : index
        %swap3A_572 = tpu.vector_load %arg6[%swap3A_570, %swap3A_571] {strides = array<i32>} : memref<200x128xi32, #tpu.memory_space<vmem>>, vector<16xi32>,
        tpu.vector_store %arg6[%swap3A_570, %swap3A_571], %min3A_569 {strides = array<i32>} : memref<200x128xi32, #tpu.memory_space<vmem>>, vector<16xi32>,
        %get3A_573 = arith.index_cast %add3A_519 : i32 to index
        %get3A_574 = arith.constant 16 : index
        %get3A_575 = tpu.vector_load %arg6[%get3A_573, %get3A_574] {strides = array<i32>} : memref<200x128xi32, #tpu.memory_space<vmem>>, vector<16xi32>,
        %max3A_576 = arith.constant 0 : i32
        %max3A_577 = vector.broadcast %max3A_576 : i32 to vector<16xi32>
        %max3A_578 = arith.maxsi %get3A_575, %max3A_577 : vector<16xi32>
        %min3A_579 = arith.constant 99999 : i32
        %min3A_580 = vector.broadcast %min3A_579 : i32 to vector<16xi32>
        %min3A_581 = arith.minsi %max3A_578, %min3A_580 : vector<16xi32>
        %swap3A_582 = arith.index_cast %add3A_519 : i32 to index
        %swap3A_583 = arith.constant 16 : index
        %swap3A_584 = tpu.vector_load %arg6[%swap3A_582, %swap3A_583] {strides = array<i32>} : memref<200x128xi32, #tpu.memory_space<vmem>>, vector<16xi32>,
        tpu.vector_store %arg6[%swap3A_582, %swap3A_583], %min3A_581 {strides = array<i32>} : memref<200x128xi32, #tpu.memory_space<vmem>>, vector<16xi32>,
        %get3A_585 = arith.index_cast %add3A_519 : i32 to index
        %get3A_586 = arith.constant 32 : index
        %get3A_587 = tpu.vector_load %arg6[%get3A_585, %get3A_586] {strides = array<i32>} : memref<200x128xi32, #tpu.memory_space<vmem>>, vector<16xi32>,
        %max3A_588 = arith.constant 0 : i32
        %max3A_589 = vector.broadcast %max3A_588 : i32 to vector<16xi32>
        %max3A_590 = arith.maxsi %get3A_587, %max3A_589 : vector<16xi32>
        %min3A_591 = arith.constant 99999 : i32
        %min3A_592 = vector.broadcast %min3A_591 : i32 to vector<16xi32>
        %min3A_593 = arith.minsi %max3A_590, %min3A_592 : vector<16xi32>
        %swap3A_594 = arith.index_cast %add3A_519 : i32 to index
        %swap3A_595 = arith.constant 32 : index
        %swap3A_596 = tpu.vector_load %arg6[%swap3A_594, %swap3A_595] {strides = array<i32>} : memref<200x128xi32, #tpu.memory_space<vmem>>, vector<16xi32>,
        tpu.vector_store %arg6[%swap3A_594, %swap3A_595], %min3A_593 {strides = array<i32>} : memref<200x128xi32, #tpu.memory_space<vmem>>, vector<16xi32>,
        %get3A_597 = arith.index_cast %add3A_519 : i32 to index
        %get3A_598 = arith.constant 48 : index
        %get3A_599 = tpu.vector_load %arg6[%get3A_597, %get3A_598] {strides = array<i32>} : memref<200x128xi32, #tpu.memory_space<vmem>>, vector<16xi32>,
        %max3A_600 = arith.constant 0 : i32
        %max3A_601 = vector.broadcast %max3A_600 : i32 to vector<16xi32>
        %max3A_602 = arith.maxsi %get3A_599, %max3A_601 : vector<16xi32>
        %min3A_603 = arith.constant 99999 : i32
        %min3A_604 = vector.broadcast %min3A_603 : i32 to vector<16xi32>
        %min3A_605 = arith.minsi %max3A_602, %min3A_604 : vector<16xi32>
        %swap3A_606 = arith.index_cast %add3A_519 : i32 to index
        %swap3A_607 = arith.constant 48 : index
        %swap3A_608 = tpu.vector_load %arg6[%swap3A_606, %swap3A_607] {strides = array<i32>} : memref<200x128xi32, #tpu.memory_space<vmem>>, vector<16xi32>,
        tpu.vector_store %arg6[%swap3A_606, %swap3A_607], %min3A_605 {strides = array<i32>} : memref<200x128xi32, #tpu.memory_space<vmem>>, vector<16xi32>,
        %get3A_609 = arith.index_cast %add3A_519 : i32 to index
        %get3A_610 = arith.constant 64 : index
        %get3A_611 = tpu.vector_load %arg6[%get3A_609, %get3A_610] {strides = array<i32>} : memref<200x128xi32, #tpu.memory_space<vmem>>, vector<16xi32>,
        %max3A_612 = arith.constant 0 : i32
        %max3A_613 = vector.broadcast %max3A_612 : i32 to vector<16xi32>
        %max3A_614 = arith.maxsi %get3A_611, %max3A_613 : vector<16xi32>
        %min3A_615 = arith.constant 99999 : i32
        %min3A_616 = vector.broadcast %min3A_615 : i32 to vector<16xi32>
        %min3A_617 = arith.minsi %max3A_614, %min3A_616 : vector<16xi32>
        %swap3A_618 = arith.index_cast %add3A_519 : i32 to index
        %swap3A_619 = arith.constant 64 : index
        %swap3A_620 = tpu.vector_load %arg6[%swap3A_618, %swap3A_619] {strides = array<i32>} : memref<200x128xi32, #tpu.memory_space<vmem>>, vector<16xi32>,
        tpu.vector_store %arg6[%swap3A_618, %swap3A_619], %min3A_617 {strides = array<i32>} : memref<200x128xi32, #tpu.memory_space<vmem>>, vector<16xi32>,
        %get3A_621 = arith.index_cast %add3A_519 : i32 to index
        %get3A_622 = arith.constant 80 : index
        %get3A_623 = tpu.vector_load %arg6[%get3A_621, %get3A_622] {strides = array<i32>} : memref<200x128xi32, #tpu.memory_space<vmem>>, vector<16xi32>,
        %max3A_624 = arith.constant 0 : i32
        %max3A_625 = vector.broadcast %max3A_624 : i32 to vector<16xi32>
        %max3A_626 = arith.maxsi %get3A_623, %max3A_625 : vector<16xi32>
        %min3A_627 = arith.constant 99999 : i32
        %min3A_628 = vector.broadcast %min3A_627 : i32 to vector<16xi32>
        %min3A_629 = arith.minsi %max3A_626, %min3A_628 : vector<16xi32>
        %swap3A_630 = arith.index_cast %add3A_519 : i32 to index
        %swap3A_631 = arith.constant 80 : index
        %swap3A_632 = tpu.vector_load %arg6[%swap3A_630, %swap3A_631] {strides = array<i32>} : memref<200x128xi32, #tpu.memory_space<vmem>>, vector<16xi32>,
        tpu.vector_store %arg6[%swap3A_630, %swap3A_631], %min3A_629 {strides = array<i32>} : memref<200x128xi32, #tpu.memory_space<vmem>>, vector<16xi32>,
        %get3A_633 = arith.index_cast %add3A_519 : i32 to index
        %get3A_634 = arith.constant 96 : index
        %get3A_635 = tpu.vector_load %arg6[%get3A_633, %get3A_634] {strides = array<i32>} : memref<200x128xi32, #tpu.memory_space<vmem>>, vector<16xi32>,
        %max3A_636 = arith.constant 0 : i32
        %max3A_637 = vector.broadcast %max3A_636 : i32 to vector<16xi32>
        %max3A_638 = arith.maxsi %get3A_635, %max3A_637 : vector<16xi32>
        %min3A_639 = arith.constant 99999 : i32
        %min3A_640 = vector.broadcast %min3A_639 : i32 to vector<16xi32>
        %min3A_641 = arith.minsi %max3A_638, %min3A_640 : vector<16xi32>
        %swap3A_642 = arith.index_cast %add3A_519 : i32 to index
        %swap3A_643 = arith.constant 96 : index
        %swap3A_644 = tpu.vector_load %arg6[%swap3A_642, %swap3A_643] {strides = array<i32>} : memref<200x128xi32, #tpu.memory_space<vmem>>, vector<16xi32>,
        tpu.vector_store %arg6[%swap3A_642, %swap3A_643], %min3A_641 {strides = array<i32>} : memref<200x128xi32, #tpu.memory_space<vmem>>, vector<16xi32>,
        %get3A_645 = arith.index_cast %add3A_519 : i32 to index
        %get3A_646 = arith.constant 112 : index
        %get3A_647 = tpu.vector_load %arg6[%get3A_645, %get3A_646] {strides = array<i32>} : memref<200x128xi32, #tpu.memory_space<vmem>>, vector<16xi32>,
        %max3A_648 = arith.constant 0 : i32
        %max3A_649 = vector.broadcast %max3A_648 : i32 to vector<16xi32>
        %max3A_650 = arith.maxsi %get3A_647, %max3A_649 : vector<16xi32>
        %min3A_651 = arith.constant 99999 : i32
        %min3A_652 = vector.broadcast %min3A_651 : i32 to vector<16xi32>
        %min3A_653 = arith.minsi %max3A_650, %min3A_652 : vector<16xi32>
        %swap3A_654 = arith.index_cast %add3A_519 : i32 to index
        %swap3A_655 = arith.constant 112 : index
        %swap3A_656 = tpu.vector_load %arg6[%swap3A_654, %swap3A_655] {strides = array<i32>} : memref<200x128xi32, #tpu.memory_space<vmem>>, vector<16xi32>,
        tpu.vector_store %arg6[%swap3A_654, %swap3A_655], %min3A_653 {strides = array<i32>} : memref<200x128xi32, #tpu.memory_space<vmem>>, vector<16xi32>,
        %rem3A_657 = arith.constant 6 : i32
        %rem3A_658 = arith.remsi %add3A_519, %rem3A_657 : i32
        %dma_start3A_659 = arith.constant 0 : i32
        %dma_start3A_660 = arith.constant 0 : i32
        %dma_start3A_661 = tpu.memref_slice %arg8[%rem3A_658, %dma_start3A_659, %dma_start3A_660] : memref<6x128x128xf32, #tpu.memory_space<vmem>> -> memref<1x128x128xf32, #tpu.memory_space<vmem>>
        %dma_start3A_662 = tpu.memref_squeeze %dma_start3A_661 : memref<1x128x128xf32, #tpu.memory_space<vmem>> -> memref<128x128xf32, #tpu.memory_space<vmem>>
        %dma_start3A_663 = arith.constant 0 : i32
        %dma_start3A_664 = tpu.memref_slice %arg6[%add3A_519, %dma_start3A_663] : memref<200x128xi32, #tpu.memory_space<vmem>> -> memref<1x128xi32, #tpu.memory_space<vmem>>
        %dma_start3A_665 = tpu.memref_squeeze %dma_start3A_664 : memref<1x128xi32, #tpu.memory_space<vmem>> -> memref<128xi32, #tpu.memory_space<vmem>>
        %dma_start3A_666 = arith.constant 0 : i32
        %dma_start3A_667 = arith.constant 0 : i32
        %dma_start3A_668 = tpu.memref_slice %arg3[%dma_start3A_666, %dma_start3A_667] : memref<100000x128xf32, #tpu.memory_space<hbm>> -> memref<100000x128xf32, #tpu.memory_space<hbm>>
        %dma_start3A_669 = tpu.memref_slice %arg9[%rem3A_658] : memref<6x!tpu.dma_semaphore, #tpu.memory_space<semaphore_mem>> -> memref<1x!tpu.dma_semaphore, #tpu.memory_space<semaphore_mem>>
        %dma_start3A_670 = tpu.memref_squeeze %dma_start3A_669 : memref<1x!tpu.dma_semaphore, #tpu.memory_space<semaphore_mem>> -> memref<!tpu.dma_semaphore, #tpu.memory_space<semaphore_mem>>
        tpu.enqueue_indirect_dma source(%dma_start3A_668 : memref<100000x128xf32, #tpu.memory_space<hbm>>) target(%dma_start3A_662 : memref<128x128xf32, #tpu.memory_space<vmem>>) offsets(%dma_start3A_665 : memref<128xi32, #tpu.memory_space<vmem>>) semaphore(%dma_start3A_670 : memref<!tpu.dma_semaphore, #tpu.memory_space<semaphore_mem>>)
      } else {
      }
      %dma_wait3A_530 = arith.constant 0 : i32
      %dma_wait3A_531 = arith.constant 0 : i32
      %dma_wait3A_532 = tpu.memref_slice %arg8[%rem3A_517, %dma_wait3A_530, %dma_wait3A_531] : memref<6x128x128xf32, #tpu.memory_space<vmem>> -> memref<1x128x128xf32, #tpu.memory_space<vmem>>
      %dma_wait3A_533 = tpu.memref_squeeze %dma_wait3A_532 : memref<1x128x128xf32, #tpu.memory_space<vmem>> -> memref<128x128xf32, #tpu.memory_space<vmem>>
      %dma_wait3A_534 = arith.constant 0 : i32
      %dma_wait3A_535 = tpu.memref_slice %arg6[%scan3A_515, %dma_wait3A_534] : memref<200x128xi32, #tpu.memory_space<vmem>> -> memref<1x128xi32, #tpu.memory_space<vmem>>
      %dma_wait3A_536 = tpu.memref_squeeze %dma_wait3A_535 : memref<1x128xi32, #tpu.memory_space<vmem>> -> memref<128xi32, #tpu.memory_space<vmem>>
      %dma_wait3A_537 = arith.constant 0 : i32
      %dma_wait3A_538 = arith.constant 0 : i32
      %dma_wait3A_539 = tpu.memref_slice %arg3[%dma_wait3A_537, %dma_wait3A_538] : memref<100000x128xf32, #tpu.memory_space<hbm>> -> memref<100000x128xf32, #tpu.memory_space<hbm>>
      %dma_wait3A_540 = tpu.memref_slice %arg9[%rem3A_517] : memref<6x!tpu.dma_semaphore, #tpu.memory_space<semaphore_mem>> -> memref<1x!tpu.dma_semaphore, #tpu.memory_space<semaphore_mem>>
      %dma_wait3A_541 = tpu.memref_squeeze %dma_wait3A_540 : memref<1x!tpu.dma_semaphore, #tpu.memory_space<semaphore_mem>> -> memref<!tpu.dma_semaphore, #tpu.memory_space<semaphore_mem>>
      tpu.wait_indirect_dma semaphore(%dma_wait3A_541 : memref<!tpu.dma_semaphore, #tpu.memory_space<semaphore_mem>>) src(%dma_wait3A_539 : memref<100000x128xf32, #tpu.memory_space<hbm>>) dst(%dma_wait3A_533 : memref<128x128xf32, #tpu.memory_space<vmem>>)
      %parallel_loop3A = arith.constant 0 : i32
      %parallel_loop3A_542 = arith.constant 128 : i32
      %parallel_loop3A_543 = arith.constant 1 : i32
      scf.for %parallel_loop3A_561 = %parallel_loop3A to %parallel_loop3A_542 step %parallel_loop3A_543  : i32 {
        %parallel_loop3A_562 = arith.index_cast %rem3A_517 : i32 to index
        %parallel_loop3A_563 = arith.index_cast %parallel_loop3A_561 : i32 to index
        %parallel_loop3A_564 = arith.constant 0 : index
        %parallel_loop3A_565 = tpu.vector_load %arg8[%parallel_loop3A_562, %parallel_loop3A_563, %parallel_loop3A_564] {strides = array<i32>} : memref<6x128x128xf32, #tpu.memory_space<vmem>>, vector<16xf32>,
        %parallel_loop3A_566 = arith.index_cast %rem3A_517 : i32 to index
        %parallel_loop3A_567 = arith.index_cast %parallel_loop3A_561 : i32 to index
        %parallel_loop3A_568 = arith.constant 16 : index
        %parallel_loop3A_569 = tpu.vector_load %arg8[%parallel_loop3A_566, %parallel_loop3A_567, %parallel_loop3A_568] {strides = array<i32>} : memref<6x128x128xf32, #tpu.memory_space<vmem>>, vector<16xf32>,
        %parallel_loop3A_570 = arith.index_cast %rem3A_517 : i32 to index
        %parallel_loop3A_571 = arith.index_cast %parallel_loop3A_561 : i32 to index
        %parallel_loop3A_572 = arith.constant 32 : index
        %parallel_loop3A_573 = tpu.vector_load %arg8[%parallel_loop3A_570, %parallel_loop3A_571, %parallel_loop3A_572] {strides = array<i32>} : memref<6x128x128xf32, #tpu.memory_space<vmem>>, vector<16xf32>,
        %parallel_loop3A_574 = arith.index_cast %rem3A_517 : i32 to index
        %parallel_loop3A_575 = arith.index_cast %parallel_loop3A_561 : i32 to index
        %parallel_loop3A_576 = arith.constant 48 : index
        %parallel_loop3A_577 = tpu.vector_load %arg8[%parallel_loop3A_574, %parallel_loop3A_575, %parallel_loop3A_576] {strides = array<i32>} : memref<6x128x128xf32, #tpu.memory_space<vmem>>, vector<16xf32>,
        %parallel_loop3A_578 = arith.index_cast %rem3A_517 : i32 to index
        %parallel_loop3A_579 = arith.index_cast %parallel_loop3A_561 : i32 to index
        %parallel_loop3A_580 = arith.constant 64 : index
        %parallel_loop3A_581 = tpu.vector_load %arg8[%parallel_loop3A_578, %parallel_loop3A_579, %parallel_loop3A_580] {strides = array<i32>} : memref<6x128x128xf32, #tpu.memory_space<vmem>>, vector<16xf32>,
        %parallel_loop3A_582 = arith.index_cast %rem3A_517 : i32 to index
        %parallel_loop3A_583 = arith.index_cast %parallel_loop3A_561 : i32 to index
        %parallel_loop3A_584 = arith.constant 80 : index
        %parallel_loop3A_585 = tpu.vector_load %arg8[%parallel_loop3A_582, %parallel_loop3A_583, %parallel_loop3A_584] {strides = array<i32>} : memref<6x128x128xf32, #tpu.memory_space<vmem>>, vector<16xf32>,
        %parallel_loop3A_586 = arith.index_cast %rem3A_517 : i32 to index
        %parallel_loop3A_587 = arith.index_cast %parallel_loop3A_561 : i32 to index
        %parallel_loop3A_588 = arith.constant 96 : index
        %parallel_loop3A_589 = tpu.vector_load %arg8[%parallel_loop3A_586, %parallel_loop3A_587, %parallel_loop3A_588] {strides = array<i32>} : memref<6x128x128xf32, #tpu.memory_space<vmem>>, vector<16xf32>,
        %parallel_loop3A_590 = arith.index_cast %rem3A_517 : i32 to index
        %parallel_loop3A_591 = arith.index_cast %parallel_loop3A_561 : i32 to index
        %parallel_loop3A_592 = arith.constant 112 : index
        %parallel_loop3A_593 = tpu.vector_load %arg8[%parallel_loop3A_590, %parallel_loop3A_591, %parallel_loop3A_592] {strides = array<i32>} : memref<6x128x128xf32, #tpu.memory_space<vmem>>, vector<16xf32>,
        %parallel_loop3A_594 = arith.mulf %parallel_loop3A_565, %parallel_loop3A_565 : vector<16xf32>
        %parallel_loop3A_595 = arith.mulf %parallel_loop3A_569, %parallel_loop3A_569 : vector<16xf32>
        %parallel_loop3A_596 = arith.addf %parallel_loop3A_594, %parallel_loop3A_595 : vector<16xf32>
        %parallel_loop3A_597 = arith.mulf %parallel_loop3A_573, %parallel_loop3A_573 : vector<16xf32>
        %parallel_loop3A_598 = arith.addf %parallel_loop3A_596, %parallel_loop3A_597 : vector<16xf32>
        %parallel_loop3A_599 = arith.mulf %parallel_loop3A_577, %parallel_loop3A_577 : vector<16xf32>
        %parallel_loop3A_600 = arith.addf %parallel_loop3A_598, %parallel_loop3A_599 : vector<16xf32>
        %parallel_loop3A_601 = arith.mulf %parallel_loop3A_581, %parallel_loop3A_581 : vector<16xf32>
        %parallel_loop3A_602 = arith.addf %parallel_loop3A_600, %parallel_loop3A_601 : vector<16xf32>
        %parallel_loop3A_603 = arith.mulf %parallel_loop3A_585, %parallel_loop3A_585 : vector<16xf32>
        %parallel_loop3A_604 = arith.addf %parallel_loop3A_602, %parallel_loop3A_603 : vector<16xf32>
        %parallel_loop3A_605 = arith.mulf %parallel_loop3A_589, %parallel_loop3A_589 : vector<16xf32>
        %parallel_loop3A_606 = arith.addf %parallel_loop3A_604, %parallel_loop3A_605 : vector<16xf32>
        %parallel_loop3A_607 = arith.mulf %parallel_loop3A_593, %parallel_loop3A_593 : vector<16xf32>
        %parallel_loop3A_608 = arith.addf %parallel_loop3A_606, %parallel_loop3A_607 : vector<16xf32>
        %parallel_loop3A_609 = arith.constant true
        %parallel_loop3A_610 = vector.broadcast %parallel_loop3A_609 : i1 to vector<16xi1>
        %parallel_loop3A_611 = tpu.scan <sum>, %parallel_loop3A_608 masked %parallel_loop3A_610 : vector<16xf32>, vector<16xi1> -> vector<16xf32>
        %parallel_loop3A_612 = vector.extract %parallel_loop3A_611[15] : f32 from vector<16xf32>
        %parallel_loop3A_613 = arith.constant 7.812500e-03 : f32
        %parallel_loop3A_614 = arith.mulf %parallel_loop3A_612, %parallel_loop3A_613 : f32
        %parallel_loop3A_615 = arith.constant 9.99999997E-7 : f32
        %parallel_loop3A_616 = arith.addf %parallel_loop3A_614, %parallel_loop3A_615 : f32
        %parallel_loop3A_617 = arith.bitcast %parallel_loop3A_616 : f32 to i32
        %parallel_loop3A_618 = arith.constant 1 : i32
        %parallel_loop3A_619 = arith.shrui %parallel_loop3A_617, %parallel_loop3A_618 : i32
        %parallel_loop3A_620 = arith.constant 1597463007 : i32
        %parallel_loop3A_621 = arith.subi %parallel_loop3A_620, %parallel_loop3A_619 : i32
        %parallel_loop3A_622 = arith.bitcast %parallel_loop3A_621 : i32 to f32
        %parallel_loop3A_623 = arith.constant 5.000000e-01 : f32
        %parallel_loop3A_624 = arith.mulf %parallel_loop3A_623, %parallel_loop3A_616 : f32
        %parallel_loop3A_625 = arith.mulf %parallel_loop3A_624, %parallel_loop3A_622 : f32
        %parallel_loop3A_626 = arith.mulf %parallel_loop3A_625, %parallel_loop3A_622 : f32
        %parallel_loop3A_627 = arith.constant 1.500000e+00 : f32
        %parallel_loop3A_628 = arith.subf %parallel_loop3A_627, %parallel_loop3A_626 : f32
        %parallel_loop3A_629 = arith.mulf %parallel_loop3A_622, %parallel_loop3A_628 : f32
        %parallel_loop3A_630 = arith.constant 5.000000e-01 : f32
        %parallel_loop3A_631 = arith.mulf %parallel_loop3A_630, %parallel_loop3A_616 : f32
        %parallel_loop3A_632 = arith.mulf %parallel_loop3A_631, %parallel_loop3A_629 : f32
        %parallel_loop3A_633 = arith.mulf %parallel_loop3A_632, %parallel_loop3A_629 : f32
        %parallel_loop3A_634 = arith.constant 1.500000e+00 : f32
        %parallel_loop3A_635 = arith.subf %parallel_loop3A_634, %parallel_loop3A_633 : f32
        %parallel_loop3A_636 = arith.mulf %parallel_loop3A_629, %parallel_loop3A_635 : f32
        %parallel_loop3A_637 = vector.broadcast %parallel_loop3A_636 : f32 to vector<16xf32>
        %parallel_loop3A_638 = arith.mulf %parallel_loop3A_565, %parallel_loop3A_637 : vector<16xf32>
        %parallel_loop3A_639 = arith.mulf %parallel_loop3A_638, %get3A_3 : vector<16xf32>
        %parallel_loop3A_640 = arith.index_cast %rem3A_517 : i32 to index
        %parallel_loop3A_641 = arith.index_cast %parallel_loop3A_561 : i32 to index
        %parallel_loop3A_642 = arith.constant 0 : index
        %parallel_loop3A_643 = tpu.vector_load %arg8[%parallel_loop3A_640, %parallel_loop3A_641, %parallel_loop3A_642] {strides = array<i32>} : memref<6x128x128xf32, #tpu.memory_space<vmem>>, vector<16xf32>,
        tpu.vector_store %arg8[%parallel_loop3A_640, %parallel_loop3A_641, %parallel_loop3A_642], %parallel_loop3A_639 {strides = array<i32>} : memref<6x128x128xf32, #tpu.memory_space<vmem>>, vector<16xf32>,
        %parallel_loop3A_644 = vector.broadcast %parallel_loop3A_636 : f32 to vector<16xf32>
        %parallel_loop3A_645 = arith.mulf %parallel_loop3A_569, %parallel_loop3A_644 : vector<16xf32>
        %parallel_loop3A_646 = arith.mulf %parallel_loop3A_645, %get3A_5 : vector<16xf32>
        %parallel_loop3A_647 = arith.index_cast %rem3A_517 : i32 to index
        %parallel_loop3A_648 = arith.index_cast %parallel_loop3A_561 : i32 to index
        %parallel_loop3A_649 = arith.constant 16 : index
        %parallel_loop3A_650 = tpu.vector_load %arg8[%parallel_loop3A_647, %parallel_loop3A_648, %parallel_loop3A_649] {strides = array<i32>} : memref<6x128x128xf32, #tpu.memory_space<vmem>>, vector<16xf32>,
        tpu.vector_store %arg8[%parallel_loop3A_647, %parallel_loop3A_648, %parallel_loop3A_649], %parallel_loop3A_646 {strides = array<i32>} : memref<6x128x128xf32, #tpu.memory_space<vmem>>, vector<16xf32>,
        %parallel_loop3A_651 = vector.broadcast %parallel_loop3A_636 : f32 to vector<16xf32>
        %parallel_loop3A_652 = arith.mulf %parallel_loop3A_573, %parallel_loop3A_651 : vector<16xf32>
        %parallel_loop3A_653 = arith.mulf %parallel_loop3A_652, %get3A_7 : vector<16xf32>
        %parallel_loop3A_654 = arith.index_cast %rem3A_517 : i32 to index
        %parallel_loop3A_655 = arith.index_cast %parallel_loop3A_561 : i32 to index
        %parallel_loop3A_656 = arith.constant 32 : index
        %parallel_loop3A_657 = tpu.vector_load %arg8[%parallel_loop3A_654, %parallel_loop3A_655, %parallel_loop3A_656] {strides = array<i32>} : memref<6x128x128xf32, #tpu.memory_space<vmem>>, vector<16xf32>,
        tpu.vector_store %arg8[%parallel_loop3A_654, %parallel_loop3A_655, %parallel_loop3A_656], %parallel_loop3A_653 {strides = array<i32>} : memref<6x128x128xf32, #tpu.memory_space<vmem>>, vector<16xf32>,
        %parallel_loop3A_658 = vector.broadcast %parallel_loop3A_636 : f32 to vector<16xf32>
        %parallel_loop3A_659 = arith.mulf %parallel_loop3A_577, %parallel_loop3A_658 : vector<16xf32>
        %parallel_loop3A_660 = arith.mulf %parallel_loop3A_659, %get3A_9 : vector<16xf32>
        %parallel_loop3A_661 = arith.index_cast %rem3A_517 : i32 to index
        %parallel_loop3A_662 = arith.index_cast %parallel_loop3A_561 : i32 to index
        %parallel_loop3A_663 = arith.constant 48 : index
        %parallel_loop3A_664 = tpu.vector_load %arg8[%parallel_loop3A_661, %parallel_loop3A_662, %parallel_loop3A_663] {strides = array<i32>} : memref<6x128x128xf32, #tpu.memory_space<vmem>>, vector<16xf32>,
        tpu.vector_store %arg8[%parallel_loop3A_661, %parallel_loop3A_662, %parallel_loop3A_663], %parallel_loop3A_660 {strides = array<i32>} : memref<6x128x128xf32, #tpu.memory_space<vmem>>, vector<16xf32>,
        %parallel_loop3A_665 = vector.broadcast %parallel_loop3A_636 : f32 to vector<16xf32>
        %parallel_loop3A_666 = arith.mulf %parallel_loop3A_581, %parallel_loop3A_665 : vector<16xf32>
        %parallel_loop3A_667 = arith.mulf %parallel_loop3A_666, %get3A_11 : vector<16xf32>
        %parallel_loop3A_668 = arith.index_cast %rem3A_517 : i32 to index
        %parallel_loop3A_669 = arith.index_cast %parallel_loop3A_561 : i32 to index
        %parallel_loop3A_670 = arith.constant 64 : index
        %parallel_loop3A_671 = tpu.vector_load %arg8[%parallel_loop3A_668, %parallel_loop3A_669, %parallel_loop3A_670] {strides = array<i32>} : memref<6x128x128xf32, #tpu.memory_space<vmem>>, vector<16xf32>,
        tpu.vector_store %arg8[%parallel_loop3A_668, %parallel_loop3A_669, %parallel_loop3A_670], %parallel_loop3A_667 {strides = array<i32>} : memref<6x128x128xf32, #tpu.memory_space<vmem>>, vector<16xf32>,
        %parallel_loop3A_672 = vector.broadcast %parallel_loop3A_636 : f32 to vector<16xf32>
        %parallel_loop3A_673 = arith.mulf %parallel_loop3A_585, %parallel_loop3A_672 : vector<16xf32>
        %parallel_loop3A_674 = arith.mulf %parallel_loop3A_673, %get3A_13 : vector<16xf32>
        %parallel_loop3A_675 = arith.index_cast %rem3A_517 : i32 to index
        %parallel_loop3A_676 = arith.index_cast %parallel_loop3A_561 : i32 to index
        %parallel_loop3A_677 = arith.constant 80 : index
        %parallel_loop3A_678 = tpu.vector_load %arg8[%parallel_loop3A_675, %parallel_loop3A_676, %parallel_loop3A_677] {strides = array<i32>} : memref<6x128x128xf32, #tpu.memory_space<vmem>>, vector<16xf32>,
        tpu.vector_store %arg8[%parallel_loop3A_675, %parallel_loop3A_676, %parallel_loop3A_677], %parallel_loop3A_674 {strides = array<i32>} : memref<6x128x128xf32, #tpu.memory_space<vmem>>, vector<16xf32>,
        %parallel_loop3A_679 = vector.broadcast %parallel_loop3A_636 : f32 to vector<16xf32>
        %parallel_loop3A_680 = arith.mulf %parallel_loop3A_589, %parallel_loop3A_679 : vector<16xf32>
        %parallel_loop3A_681 = arith.mulf %parallel_loop3A_680, %get3A_15 : vector<16xf32>
        %parallel_loop3A_682 = arith.index_cast %rem3A_517 : i32 to index
        %parallel_loop3A_683 = arith.index_cast %parallel_loop3A_561 : i32 to index
        %parallel_loop3A_684 = arith.constant 96 : index
        %parallel_loop3A_685 = tpu.vector_load %arg8[%parallel_loop3A_682, %parallel_loop3A_683, %parallel_loop3A_684] {strides = array<i32>} : memref<6x128x128xf32, #tpu.memory_space<vmem>>, vector<16xf32>,
        tpu.vector_store %arg8[%parallel_loop3A_682, %parallel_loop3A_683, %parallel_loop3A_684], %parallel_loop3A_681 {strides = array<i32>} : memref<6x128x128xf32, #tpu.memory_space<vmem>>, vector<16xf32>,
        %parallel_loop3A_686 = vector.broadcast %parallel_loop3A_636 : f32 to vector<16xf32>
        %parallel_loop3A_687 = arith.mulf %parallel_loop3A_593, %parallel_loop3A_686 : vector<16xf32>
        %parallel_loop3A_688 = arith.mulf %parallel_loop3A_687, %get3A_17 : vector<16xf32>
        %parallel_loop3A_689 = arith.index_cast %rem3A_517 : i32 to index
        %parallel_loop3A_690 = arith.index_cast %parallel_loop3A_561 : i32 to index
        %parallel_loop3A_691 = arith.constant 112 : index
        %parallel_loop3A_692 = tpu.vector_load %arg8[%parallel_loop3A_689, %parallel_loop3A_690, %parallel_loop3A_691] {strides = array<i32>} : memref<6x128x128xf32, #tpu.memory_space<vmem>>, vector<16xf32>,
        tpu.vector_store %arg8[%parallel_loop3A_689, %parallel_loop3A_690, %parallel_loop3A_691], %parallel_loop3A_688 {strides = array<i32>} : memref<6x128x128xf32, #tpu.memory_space<vmem>>, vector<16xf32>,
      } {sc.loop_unroll_factor = 2 : i64, sc.parallel_access}
      %mul3A_544 = arith.constant 128 : i32
      %mul3A_545 = arith.muli %scan3A_515, %mul3A_544 : i32
      %add3A_546 = arith.addi %mul3A_2, %mul3A_545 : i32
      %dma_start3A_547 = arith.constant 0 : i32
      %dma_start3A_548 = arith.constant 0 : i32
      %dma_start3A_549 = tpu.memref_slice %arg8[%rem3A_517, %dma_start3A_547, %dma_start3A_548] : memref<6x128x128xf32, #tpu.memory_space<vmem>> -> memref<1x128x128xf32, #tpu.memory_space<vmem>>
      %dma_start3A_550 = tpu.memref_squeeze %dma_start3A_549 : memref<1x128x128xf32, #tpu.memory_space<vmem>> -> memref<128x128xf32, #tpu.memory_space<vmem>>
      %dma_start3A_551 = arith.constant 0 : i32
      %dma_start3A_552 = tpu.memref_slice %arg5[%add3A_546, %dma_start3A_551] : memref<819200x128xf32, #tpu.memory_space<hbm>> -> memref<128x128xf32, #tpu.memory_space<hbm>>
      %dma_start3A_553 = tpu.memref_slice %arg10[%rem3A_517] : memref<6x!tpu.dma_semaphore, #tpu.memory_space<semaphore_mem>> -> memref<1x!tpu.dma_semaphore, #tpu.memory_space<semaphore_mem>>
      %dma_start3A_554 = tpu.memref_squeeze %dma_start3A_553 : memref<1x!tpu.dma_semaphore, #tpu.memory_space<semaphore_mem>> -> memref<!tpu.dma_semaphore, #tpu.memory_space<semaphore_mem>>
      %dma_start3A_555 = arith.constant 0 : i32
      %dma_start3A_556 = tpu.memref_slice %arg5[%add3A_546, %dma_start3A_555] : memref<819200x128xf32, #tpu.memory_space<hbm>> -> memref<128x128xf32, #tpu.memory_space<hbm>>
      %dma_start3A_557 = arith.constant 0 : i32
      %dma_start3A_558 = arith.constant 0 : i32
      %dma_start3A_559 = tpu.memref_slice %arg8[%rem3A_517, %dma_start3A_557, %dma_start3A_558] : memref<6x128x128xf32, #tpu.memory_space<vmem>> -> memref<1x128x128xf32, #tpu.memory_space<vmem>>
      %dma_start3A_560 = tpu.memref_squeeze %dma_start3A_559 : memref<1x128x128xf32, #tpu.memory_space<vmem>> -> memref<128x128xf32, #tpu.memory_space<vmem>>
      tpu.enqueue_dma source(%dma_start3A_560 : memref<128x128xf32, #tpu.memory_space<vmem>>) target(%dma_start3A_556 : memref<128x128xf32, #tpu.memory_space<hbm>>) target_semaphore(%dma_start3A_554 : memref<!tpu.dma_semaphore, #tpu.memory_space<semaphore_mem>>)
    }
    %scan3A_401 = arith.constant 200 : i32
    %rem3A_402 = arith.constant 194 : i32
    %rem3A_403 = arith.constant 6 : i32
    %rem3A_404 = arith.remsi %rem3A_402, %rem3A_403 : i32
    %add3A_405 = arith.constant 24832 : i32
    %add3A_406 = arith.addi %mul3A_2, %add3A_405 : i32
    %dma_wait3A = arith.constant 0 : i32
    %dma_wait3A_407 = arith.constant 0 : i32
    %dma_wait3A_408 = tpu.memref_slice %arg8[%rem3A_404, %dma_wait3A, %dma_wait3A_407] : memref<6x128x128xf32, #tpu.memory_space<vmem>> -> memref<1x128x128xf32, #tpu.memory_space<vmem>>
    %dma_wait3A_409 = tpu.memref_squeeze %dma_wait3A_408 : memref<1x128x128xf32, #tpu.memory_space<vmem>> -> memref<128x128xf32, #tpu.memory_space<vmem>>
    %dma_wait3A_410 = arith.constant 0 : i32
    %dma_wait3A_411 = tpu.memref_slice %arg5[%add3A_406, %dma_wait3A_410] : memref<819200x128xf32, #tpu.memory_space<hbm>> -> memref<128x128xf32, #tpu.memory_space<hbm>>
    %dma_wait3A_412 = tpu.memref_slice %arg10[%rem3A_404] : memref<6x!tpu.dma_semaphore, #tpu.memory_space<semaphore_mem>> -> memref<1x!tpu.dma_semaphore, #tpu.memory_space<semaphore_mem>>
    %dma_wait3A_413 = tpu.memref_squeeze %dma_wait3A_412 : memref<1x!tpu.dma_semaphore, #tpu.memory_space<semaphore_mem>> -> memref<!tpu.dma_semaphore, #tpu.memory_space<semaphore_mem>>
    %dma_wait3A_414 = arith.constant 0 : i32
    %dma_wait3A_415 = tpu.memref_slice %arg5[%add3A_406, %dma_wait3A_414] : memref<819200x128xf32, #tpu.memory_space<hbm>> -> memref<128x128xf32, #tpu.memory_space<hbm>>
    %dma_wait3A_416 = arith.constant 0 : i32
    %dma_wait3A_417 = arith.constant 0 : i32
    %dma_wait3A_418 = tpu.memref_slice %arg8[%rem3A_404, %dma_wait3A_416, %dma_wait3A_417] : memref<6x128x128xf32, #tpu.memory_space<vmem>> -> memref<1x128x128xf32, #tpu.memory_space<vmem>>
    %dma_wait3A_419 = tpu.memref_squeeze %dma_wait3A_418 : memref<1x128x128xf32, #tpu.memory_space<vmem>> -> memref<128x128xf32, #tpu.memory_space<vmem>>
    tpu.wait_dma2 semaphore(%dma_wait3A_413 : memref<!tpu.dma_semaphore, #tpu.memory_space<semaphore_mem>>) src(%dma_wait3A_419 : memref<128x128xf32, #tpu.memory_space<vmem>>) dst(%dma_wait3A_415 : memref<128x128xf32, #tpu.memory_space<hbm>>)
    %rem3A_420 = arith.constant 195 : i32
    %rem3A_421 = arith.constant 6 : i32
    %rem3A_422 = arith.remsi %rem3A_420, %rem3A_421 : i32
    %add3A_423 = arith.constant 24960 : i32
    %add3A_424 = arith.addi %mul3A_2, %add3A_423 : i32
    %dma_wait3A_425 = arith.constant 0 : i32
    %dma_wait3A_426 = arith.constant 0 : i32
    %dma_wait3A_427 = tpu.memref_slice %arg8[%rem3A_422, %dma_wait3A_425, %dma_wait3A_426] : memref<6x128x128xf32, #tpu.memory_space<vmem>> -> memref<1x128x128xf32, #tpu.memory_space<vmem>>
    %dma_wait3A_428 = tpu.memref_squeeze %dma_wait3A_427 : memref<1x128x128xf32, #tpu.memory_space<vmem>> -> memref<128x128xf32, #tpu.memory_space<vmem>>
    %dma_wait3A_429 = arith.constant 0 : i32
    %dma_wait3A_430 = tpu.memref_slice %arg5[%add3A_424, %dma_wait3A_429] : memref<819200x128xf32, #tpu.memory_space<hbm>> -> memref<128x128xf32, #tpu.memory_space<hbm>>
    %dma_wait3A_431 = tpu.memref_slice %arg10[%rem3A_422] : memref<6x!tpu.dma_semaphore, #tpu.memory_space<semaphore_mem>> -> memref<1x!tpu.dma_semaphore, #tpu.memory_space<semaphore_mem>>
    %dma_wait3A_432 = tpu.memref_squeeze %dma_wait3A_431 : memref<1x!tpu.dma_semaphore, #tpu.memory_space<semaphore_mem>> -> memref<!tpu.dma_semaphore, #tpu.memory_space<semaphore_mem>>
    %dma_wait3A_433 = arith.constant 0 : i32
    %dma_wait3A_434 = tpu.memref_slice %arg5[%add3A_424, %dma_wait3A_433] : memref<819200x128xf32, #tpu.memory_space<hbm>> -> memref<128x128xf32, #tpu.memory_space<hbm>>
    %dma_wait3A_435 = arith.constant 0 : i32
    %dma_wait3A_436 = arith.constant 0 : i32
    %dma_wait3A_437 = tpu.memref_slice %arg8[%rem3A_422, %dma_wait3A_435, %dma_wait3A_436] : memref<6x128x128xf32, #tpu.memory_space<vmem>> -> memref<1x128x128xf32, #tpu.memory_space<vmem>>
    %dma_wait3A_438 = tpu.memref_squeeze %dma_wait3A_437 : memref<1x128x128xf32, #tpu.memory_space<vmem>> -> memref<128x128xf32, #tpu.memory_space<vmem>>
    tpu.wait_dma2 semaphore(%dma_wait3A_432 : memref<!tpu.dma_semaphore, #tpu.memory_space<semaphore_mem>>) src(%dma_wait3A_438 : memref<128x128xf32, #tpu.memory_space<vmem>>) dst(%dma_wait3A_434 : memref<128x128xf32, #tpu.memory_space<hbm>>)
    %rem3A_439 = arith.constant 196 : i32
    %rem3A_440 = arith.constant 6 : i32
    %rem3A_441 = arith.remsi %rem3A_439, %rem3A_440 : i32
    %add3A_442 = arith.constant 25088 : i32
    %add3A_443 = arith.addi %mul3A_2, %add3A_442 : i32
    %dma_wait3A_444 = arith.constant 0 : i32
    %dma_wait3A_445 = arith.constant 0 : i32
    %dma_wait3A_446 = tpu.memref_slice %arg8[%rem3A_441, %dma_wait3A_444, %dma_wait3A_445] : memref<6x128x128xf32, #tpu.memory_space<vmem>> -> memref<1x128x128xf32, #tpu.memory_space<vmem>>
    %dma_wait3A_447 = tpu.memref_squeeze %dma_wait3A_446 : memref<1x128x128xf32, #tpu.memory_space<vmem>> -> memref<128x128xf32, #tpu.memory_space<vmem>>
    %dma_wait3A_448 = arith.constant 0 : i32
    %dma_wait3A_449 = tpu.memref_slice %arg5[%add3A_443, %dma_wait3A_448] : memref<819200x128xf32, #tpu.memory_space<hbm>> -> memref<128x128xf32, #tpu.memory_space<hbm>>
    %dma_wait3A_450 = tpu.memref_slice %arg10[%rem3A_441] : memref<6x!tpu.dma_semaphore, #tpu.memory_space<semaphore_mem>> -> memref<1x!tpu.dma_semaphore, #tpu.memory_space<semaphore_mem>>
    %dma_wait3A_451 = tpu.memref_squeeze %dma_wait3A_450 : memref<1x!tpu.dma_semaphore, #tpu.memory_space<semaphore_mem>> -> memref<!tpu.dma_semaphore, #tpu.memory_space<semaphore_mem>>
    %dma_wait3A_452 = arith.constant 0 : i32
    %dma_wait3A_453 = tpu.memref_slice %arg5[%add3A_443, %dma_wait3A_452] : memref<819200x128xf32, #tpu.memory_space<hbm>> -> memref<128x128xf32, #tpu.memory_space<hbm>>
    %dma_wait3A_454 = arith.constant 0 : i32
    %dma_wait3A_455 = arith.constant 0 : i32
    %dma_wait3A_456 = tpu.memref_slice %arg8[%rem3A_441, %dma_wait3A_454, %dma_wait3A_455] : memref<6x128x128xf32, #tpu.memory_space<vmem>> -> memref<1x128x128xf32, #tpu.memory_space<vmem>>
    %dma_wait3A_457 = tpu.memref_squeeze %dma_wait3A_456 : memref<1x128x128xf32, #tpu.memory_space<vmem>> -> memref<128x128xf32, #tpu.memory_space<vmem>>
    tpu.wait_dma2 semaphore(%dma_wait3A_451 : memref<!tpu.dma_semaphore, #tpu.memory_space<semaphore_mem>>) src(%dma_wait3A_457 : memref<128x128xf32, #tpu.memory_space<vmem>>) dst(%dma_wait3A_453 : memref<128x128xf32, #tpu.memory_space<hbm>>)
    %rem3A_458 = arith.constant 197 : i32
    %rem3A_459 = arith.constant 6 : i32
    %rem3A_460 = arith.remsi %rem3A_458, %rem3A_459 : i32
    %add3A_461 = arith.constant 25216 : i32
    %add3A_462 = arith.addi %mul3A_2, %add3A_461 : i32
    %dma_wait3A_463 = arith.constant 0 : i32
    %dma_wait3A_464 = arith.constant 0 : i32
    %dma_wait3A_465 = tpu.memref_slice %arg8[%rem3A_460, %dma_wait3A_463, %dma_wait3A_464] : memref<6x128x128xf32, #tpu.memory_space<vmem>> -> memref<1x128x128xf32, #tpu.memory_space<vmem>>
    %dma_wait3A_466 = tpu.memref_squeeze %dma_wait3A_465 : memref<1x128x128xf32, #tpu.memory_space<vmem>> -> memref<128x128xf32, #tpu.memory_space<vmem>>
    %dma_wait3A_467 = arith.constant 0 : i32
    %dma_wait3A_468 = tpu.memref_slice %arg5[%add3A_462, %dma_wait3A_467] : memref<819200x128xf32, #tpu.memory_space<hbm>> -> memref<128x128xf32, #tpu.memory_space<hbm>>
    %dma_wait3A_469 = tpu.memref_slice %arg10[%rem3A_460] : memref<6x!tpu.dma_semaphore, #tpu.memory_space<semaphore_mem>> -> memref<1x!tpu.dma_semaphore, #tpu.memory_space<semaphore_mem>>
    %dma_wait3A_470 = tpu.memref_squeeze %dma_wait3A_469 : memref<1x!tpu.dma_semaphore, #tpu.memory_space<semaphore_mem>> -> memref<!tpu.dma_semaphore, #tpu.memory_space<semaphore_mem>>
    %dma_wait3A_471 = arith.constant 0 : i32
    %dma_wait3A_472 = tpu.memref_slice %arg5[%add3A_462, %dma_wait3A_471] : memref<819200x128xf32, #tpu.memory_space<hbm>> -> memref<128x128xf32, #tpu.memory_space<hbm>>
    %dma_wait3A_473 = arith.constant 0 : i32
    %dma_wait3A_474 = arith.constant 0 : i32
    %dma_wait3A_475 = tpu.memref_slice %arg8[%rem3A_460, %dma_wait3A_473, %dma_wait3A_474] : memref<6x128x128xf32, #tpu.memory_space<vmem>> -> memref<1x128x128xf32, #tpu.memory_space<vmem>>
    %dma_wait3A_476 = tpu.memref_squeeze %dma_wait3A_475 : memref<1x128x128xf32, #tpu.memory_space<vmem>> -> memref<128x128xf32, #tpu.memory_space<vmem>>
    tpu.wait_dma2 semaphore(%dma_wait3A_470 : memref<!tpu.dma_semaphore, #tpu.memory_space<semaphore_mem>>) src(%dma_wait3A_476 : memref<128x128xf32, #tpu.memory_space<vmem>>) dst(%dma_wait3A_472 : memref<128x128xf32, #tpu.memory_space<hbm>>)
    %rem3A_477 = arith.constant 198 : i32
    %rem3A_478 = arith.constant 6 : i32
    %rem3A_479 = arith.remsi %rem3A_477, %rem3A_478 : i32
    %add3A_480 = arith.constant 25344 : i32
    %add3A_481 = arith.addi %mul3A_2, %add3A_480 : i32
    %dma_wait3A_482 = arith.constant 0 : i32
    %dma_wait3A_483 = arith.constant 0 : i32
    %dma_wait3A_484 = tpu.memref_slice %arg8[%rem3A_479, %dma_wait3A_482, %dma_wait3A_483] : memref<6x128x128xf32, #tpu.memory_space<vmem>> -> memref<1x128x128xf32, #tpu.memory_space<vmem>>
    %dma_wait3A_485 = tpu.memref_squeeze %dma_wait3A_484 : memref<1x128x128xf32, #tpu.memory_space<vmem>> -> memref<128x128xf32, #tpu.memory_space<vmem>>
    %dma_wait3A_486 = arith.constant 0 : i32
    %dma_wait3A_487 = tpu.memref_slice %arg5[%add3A_481, %dma_wait3A_486] : memref<819200x128xf32, #tpu.memory_space<hbm>> -> memref<128x128xf32, #tpu.memory_space<hbm>>
    %dma_wait3A_488 = tpu.memref_slice %arg10[%rem3A_479] : memref<6x!tpu.dma_semaphore, #tpu.memory_space<semaphore_mem>> -> memref<1x!tpu.dma_semaphore, #tpu.memory_space<semaphore_mem>>
    %dma_wait3A_489 = tpu.memref_squeeze %dma_wait3A_488 : memref<1x!tpu.dma_semaphore, #tpu.memory_space<semaphore_mem>> -> memref<!tpu.dma_semaphore, #tpu.memory_space<semaphore_mem>>
    %dma_wait3A_490 = arith.constant 0 : i32
    %dma_wait3A_491 = tpu.memref_slice %arg5[%add3A_481, %dma_wait3A_490] : memref<819200x128xf32, #tpu.memory_space<hbm>> -> memref<128x128xf32, #tpu.memory_space<hbm>>
    %dma_wait3A_492 = arith.constant 0 : i32
    %dma_wait3A_493 = arith.constant 0 : i32
    %dma_wait3A_494 = tpu.memref_slice %arg8[%rem3A_479, %dma_wait3A_492, %dma_wait3A_493] : memref<6x128x128xf32, #tpu.memory_space<vmem>> -> memref<1x128x128xf32, #tpu.memory_space<vmem>>
    %dma_wait3A_495 = tpu.memref_squeeze %dma_wait3A_494 : memref<1x128x128xf32, #tpu.memory_space<vmem>> -> memref<128x128xf32, #tpu.memory_space<vmem>>
    tpu.wait_dma2 semaphore(%dma_wait3A_489 : memref<!tpu.dma_semaphore, #tpu.memory_space<semaphore_mem>>) src(%dma_wait3A_495 : memref<128x128xf32, #tpu.memory_space<vmem>>) dst(%dma_wait3A_491 : memref<128x128xf32, #tpu.memory_space<hbm>>)
    %rem3A_496 = arith.constant 199 : i32
    %rem3A_497 = arith.constant 6 : i32
    %rem3A_498 = arith.remsi %rem3A_496, %rem3A_497 : i32
    %add3A_499 = arith.constant 25472 : i32
    %add3A_500 = arith.addi %mul3A_2, %add3A_499 : i32
    %dma_wait3A_501 = arith.constant 0 : i32
    %dma_wait3A_502 = arith.constant 0 : i32
    %dma_wait3A_503 = tpu.memref_slice %arg8[%rem3A_498, %dma_wait3A_501, %dma_wait3A_502] : memref<6x128x128xf32, #tpu.memory_space<vmem>> -> memref<1x128x128xf32, #tpu.memory_space<vmem>>
    %dma_wait3A_504 = tpu.memref_squeeze %dma_wait3A_503 : memref<1x128x128xf32, #tpu.memory_space<vmem>> -> memref<128x128xf32, #tpu.memory_space<vmem>>
    %dma_wait3A_505 = arith.constant 0 : i32
    %dma_wait3A_506 = tpu.memref_slice %arg5[%add3A_500, %dma_wait3A_505] : memref<819200x128xf32, #tpu.memory_space<hbm>> -> memref<128x128xf32, #tpu.memory_space<hbm>>
    %dma_wait3A_507 = tpu.memref_slice %arg10[%rem3A_498] : memref<6x!tpu.dma_semaphore, #tpu.memory_space<semaphore_mem>> -> memref<1x!tpu.dma_semaphore, #tpu.memory_space<semaphore_mem>>
    %dma_wait3A_508 = tpu.memref_squeeze %dma_wait3A_507 : memref<1x!tpu.dma_semaphore, #tpu.memory_space<semaphore_mem>> -> memref<!tpu.dma_semaphore, #tpu.memory_space<semaphore_mem>>
    %dma_wait3A_509 = arith.constant 0 : i32
    %dma_wait3A_510 = tpu.memref_slice %arg5[%add3A_500, %dma_wait3A_509] : memref<819200x128xf32, #tpu.memory_space<hbm>> -> memref<128x128xf32, #tpu.memory_space<hbm>>
    %dma_wait3A_511 = arith.constant 0 : i32
    %dma_wait3A_512 = arith.constant 0 : i32
    %dma_wait3A_513 = tpu.memref_slice %arg8[%rem3A_498, %dma_wait3A_511, %dma_wait3A_512] : memref<6x128x128xf32, #tpu.memory_space<vmem>> -> memref<1x128x128xf32, #tpu.memory_space<vmem>>
    %dma_wait3A_514 = tpu.memref_squeeze %dma_wait3A_513 : memref<1x128x128xf32, #tpu.memory_space<vmem>> -> memref<128x128xf32, #tpu.memory_space<vmem>>
    tpu.wait_dma2 semaphore(%dma_wait3A_508 : memref<!tpu.dma_semaphore, #tpu.memory_space<semaphore_mem>>) src(%dma_wait3A_514 : memref<128x128xf32, #tpu.memory_space<vmem>>) dst(%dma_wait3A_510 : memref<128x128xf32, #tpu.memory_space<hbm>>)
    return
  }
}

</mosaic_0001>

<sc_bundles>
// kernel: kernel.3.cloned.1.call-start
scs
__scs_entry_jumppad:
0x0: {  	(pc) =	sbr.rel $0x88, $3  }
0x1: {  	(tag) =	ssettag $0x0;
	lr =	simm.s32 $0x1  }
0x2: {  	[smem:$0x3F9E] =	sst lr;
	_ =	strace $0xD0000000  }
0x3: {  	_ = 	snop  }
0x4: {  	_ = 	snop  }
0x5: {  	_ = 	snop  }
0x6: {  	_ = 	snop  }
0x7: {  	_ = 	snop  }
__scs_overlays_trampoline_lowered:
0x8: {  	[smem:$0x3FAD] =	sst s0  }
0x9: {  	[smem:$0x3FAE] =	sst s1  }
0xa: {  	[smem:$0x3FAF] =	sst s2  }
0xb: {  	[smem:$0x3FB0] =	sst s3  }
0xc: {  	[smem:$0x3FB1] =	sst s4  }
0xd: {  	[smem:$0x3FB2] =	sst s5  }
0xe: {  	[smem:$0x3FB3] =	sst s6  }
0xf: {  	[smem:$0x3FB4] =	sst s7  }
0x10: {  	[smem:$0x3FB5] =	sst s8  }
0x11: {  	[smem:$0x3FB6] =	sst s9;
	s0 =	simm.s32 @!p0 $0x0  }
0x12: {  	s1 =	sld [smem:$0x3F9C];
	s0 =	simm.s32 @p0 $0x1  }
0x13: {  	[smem:$0x3FB7] =	sst s0;
	s0 =	simm.s32 @!p1 $0x0  }
0x14: {  	s2 =	sld [smem:$0x3F9B];
	s0 =	simm.s32 @p1 $0x1  }
0x15: {  	[smem:$0x3FB8] =	sst s0;
	s0 =	simm.s32 @!p2 $0x0  }
0x16: {  	s3 =	sld [smem:$0x3FDB];
	s0 =	simm.s32 @p2 $0x1  }
0x17: {  	s4 =	simm.s32 $0x1BF5;
	[smem:$0x3FBA] =	sst s0  }
0x18: {  	s0 =	sld [smem:$0x3F9D];
	_ =	swait.ge [sflag:s4], $0x0  }
0x19: {  	s7 =	sld [smem:$0x3F9E]  }
0x1a: {  	s8 =	sadd.s32 $0xFFFFE003, lr  }
0x1b: {  	s9 =	sadd.s32 $0xFFFFFEF7, lr;
	s5 =	simm.s32 $0xFFFFFFFF;
	p2 =	slt.u32 s8, $0xFFFFF086  }
0x1c: {  	p1 =	slt.u32 s9, $0xF7A;
	s5 =	simm.s32 @!p2 $0x0  }
0x1d: {  	s5 =	simm.s32 @p1 $0x1;
	p0 =	seq.s32 s7, s2  }
0x1e: {  	s7 =	smul.u32 @!p0 $0xF7A, s2;
	p2 =	seq.s32 @!p0 s5, $0x0  }
0x1f: {  	s9 =	smul.u32 $0xF7A, s1;
	s8 =	simm.s32 @!p0 $0x1BF5;
	p2 =	por !p2, p0  }
0x20: {  	[sflag:s8] =	ssyncset.s32 @!p0 $0xFFFFF086;
	s6 =	sadd.s32 @!p0 s3, s7;
	s7 =	simm.s32 @!p0 $0x108  }
0x21: {  	s3 =	sadd.s32 s3, s9;
	s6 =	sadd.s32 @!p0 $0x88, s6;
	s7 =	simm.s32 @p2 $0x1082  }
0x22: {  	[simem:s7], [sflag:s8] =	dma.local @!p0 [hbm:s6], $0xF7A  }
0x23: {  	s9 =	sor.u32 $0xD0000000, s2;
	s6 =	simm.s32 $0x108;
	_ =	swait.ge @!p0 [sflag:s8], $0x0  }
0x24: {  	s3 =	sadd.s32 $0x88, s3;
	s6 =	simm.s32 @!p1 $0x1082;
	[sflag:s4] =	ssyncset.s32 $0xFFFFF086  }
0x25: {  	[simem:s6], [sflag:s4] =	dma.local [hbm:s3], $0xF7A  }
0x26: {  	[smem:$0x3F9E] =	sst s1;
	(tag) =	ssettag s2;
	_ =	strace s9  }
0x27: {  	s1 =	sld [smem:$0x3FAE]  }
0x28: {  	s2 =	sld [smem:$0x3FAF]  }
0x29: {  	s4 =	sld [smem:$0x3FB1]  }
0x2a: {  	p0 =	seq.s32 s5, $0x0;
	s5 =	sld [smem:$0x3FB2]  }
0x2b: {  	s6 =	sld [smem:$0x3FB3]  }
0x2c: {  	s7 =	sld [smem:$0x3FB4]  }
0x2d: {  	s3 =	simm.s32 $0x108;
	s8 =	sld [smem:$0x3FB5]  }
0x2e: {  	s3 =	simm.s32 @!p0 $0x1082;
	s9 =	sld [smem:$0x3FB6]  }
0x2f: {  	lr =	sadd.s32 s0, s3;
	s0 =	sld [smem:$0x3FAD]  }
0x30: {  	s3 =	sld [smem:$0x3FB0]  }
0x31: {  	[smem:$0x3FB9] =	sst s10  }
0x32: {  	s10 =	sld [smem:$0x3FB7];
	_ =	sdelay $0x3  }
0x33: {  	p0 =	seq.s32 s10, $0x1;
	s10 =	sld [smem:$0x3FB9];
	_ =	sdelay $0x3  }
0x34: {  	[smem:$0x3FB9] =	sst s10  }
0x35: {  	s10 =	sld [smem:$0x3FB8];
	_ =	sdelay $0x3  }
0x36: {  	p1 =	seq.s32 s10, $0x1;
	s10 =	sld [smem:$0x3FB9];
	_ =	sdelay $0x3  }
0x37: {  	[smem:$0x3FB9] =	sst s10  }
0x38: {  	s10 =	sld [smem:$0x3FBA]  }
0x39: {  	_ = 	snop;
	(pc) =	sbr.ind lr, $3  }
0x3a: {  	_ = 	snop  }
0x3b: {  	_ = 	snop  }
0x3c: {  	p2 =	seq.s32 s10, $0x1;
	s10 =	sld [smem:$0x3FB9]  }
0x3d: {  	_ =	shalt  }
0x3e: {  	_ =	shalt  }
0x3f: {  	_ =	shalt  }
0x40: {  	_ =	shalt  }
0x41: {  	_ =	shalt  }
0x42: {  	_ =	shalt  }
0x43: {  	_ =	shalt  }
0x44: {  	_ =	shalt  }
0x45: {  	_ =	shalt  }
0x46: {  	_ =	shalt  }
0x47: {  	_ =	shalt  }
0x48: {  	_ =	shalt  }
0x49: {  	_ =	shalt  }
0x4a: {  	_ =	shalt  }
0x4b: {  	_ =	shalt  }
0x4c: {  	_ =	shalt  }
0x4d: {  	_ =	shalt  }
0x4e: {  	_ =	shalt  }
0x4f: {  	_ =	shalt  }
0x50: {  	_ =	shalt  }
0x51: {  	_ =	shalt  }
0x52: {  	_ =	shalt  }
0x53: {  	_ =	shalt  }
0x54: {  	_ =	shalt  }
0x55: {  	_ =	shalt  }
0x56: {  	_ =	shalt  }
0x57: {  	_ =	shalt  }
0x58: {  	_ =	shalt  }
0x59: {  	_ =	shalt  }
0x5a: {  	_ =	shalt  }
0x5b: {  	_ =	shalt  }
0x5c: {  	_ =	shalt  }
0x5d: {  	_ =	shalt  }
0x5e: {  	_ =	shalt  }
0x5f: {  	_ =	shalt  }
0x60: {  	_ =	shalt  }
0x61: {  	_ =	shalt  }
0x62: {  	_ =	shalt  }
0x63: {  	_ =	shalt  }
0x64: {  	_ =	shalt  }
0x65: {  	_ =	shalt  }
0x66: {  	_ =	shalt  }
0x67: {  	_ =	shalt  }
0x68: {  	_ =	shalt  }
0x69: {  	_ =	shalt  }
0x6a: {  	_ =	shalt  }
0x6b: {  	_ =	shalt  }
0x6c: {  	_ =	shalt  }
0x6d: {  	_ =	shalt  }
0x6e: {  	_ =	shalt  }
0x6f: {  	_ =	shalt  }
0x70: {  	_ =	shalt  }
0x71: {  	_ =	shalt  }
0x72: {  	_ =	shalt  }
0x73: {  	_ =	shalt  }
0x74: {  	_ =	shalt  }
0x75: {  	_ =	shalt  }
0x76: {  	_ =	shalt  }
0x77: {  	_ =	shalt  }
0x78: {  	_ =	shalt  }
0x79: {  	_ =	shalt  }
0x7a: {  	_ =	shalt  }
0x7b: {  	_ =	shalt  }
0x7c: {  	_ =	shalt  }
0x7d: {  	_ =	shalt  }
0x7e: {  	_ =	shalt  }
0x7f: {  	_ =	shalt  }
0x80: {  	_ =	shalt  }
0x81: {  	_ =	shalt  }
0x82: {  	_ =	shalt  }
0x83: {  	_ =	shalt  }
0x84: {  	_ =	shalt  }
0x85: {  	_ =	shalt  }
0x86: {  	_ =	shalt  }
0x87: {  	_ =	shalt  }
.Lfunc_end0:
.L_simem_size_0:
called_computation_lowered:
.L_overlay_start_0:
0x88: {  	s2 =	sld [smem:$0x3FD9]  }
0x89: {  	s3 =	sld [smem:$0x3FFE];
	_ =	sdelay $0x1  }
0x8a: {  	s1 =	srdreg.scid  }
0x8b: {  	s0 =	sand.u32 $0x1, s1  }
0x8c: {  	s17 =	sshll.u32 s0, $0xA;
	s2 =	sadd.s32 s3, s2  }
0x8d: {  	s2 =	sadd.s32 s2, s17  }
0x8e: {  	[smem:$0x3FC5] =	sst s2  }
0x8f: {  	_ = 	snop  }
0x90: {  	s2 =	sld [smem:$0x3FC8]  }
0x91: {  	s18 =	sld [smem:$0x3FC7]  }
0x92: {  	s4 =	sld [smem:$0x3FD0];
	(tm) =	ssettm $0x1  }
0x93: {  	s5 =	sld [smem:$0x3FFB];
	_ =	sdelay $0x3  }
0x94: {  	_ =	strace s5  }
0x95: {  	s5 =	sld [smem:$0x3FFC];
	_ =	sdelay $0x3  }
0x96: {  	_ =	strace s5  }
0x97: {  	s5 =	sld [smem:$0x3FFD];
	_ =	sdelay $0x3  }
0x98: {  	_ =	strace s5  }
0x99: {  	_ =	strace $0x8FFFFFFF  }
0x9a: {  	s19 =	sld [smem:$0x3FDB];
	_ =	sdelay $0x1  }
0x9b: {  	s6 =	simm.s32 $_scs_section_size  }
0x9c: {  	s7 =	simm.s32 $_size__tile_overlayer_lowered;
	s8 =	simm.s32 $_tile_overlayer_lowered  }
0x9d: {  	s22 =	simm.s32 $0x1BFF;
	s21 =	sshll.u32 s8, $0x1;
	s5 =	sadd.s32 s6, s19  }
0x9e: {  	s9 =	simm.s32 $0x0;
	s20 =	sshll.u32 s7, $0x1;
	s7 =	sadd.s32 s21, s5  }
0x9f: {  	[timem:s9], [sflag:s22] =	dma.local [hbm:s7], s20  }
0xa0: {  	_ =	swait.ge [sflag:s22], s20  }
0xa1: {  	s6 =	ssub.s32 $0x0, s20;
	[sflag:s22] =	ssyncset.done $0x0  }
0xa2: {  	[sflag:s22] =	ssyncadd.s32 s6;
	_ =	sdelay $0x1  }
0xa3: {  	s23 =	simm.s32 $0x1B8B  }
0xa4: {  	_ =	swait.ge [sflag:s23], $0x1  }
0xa5: {  	[sflag:s23] =	ssyncset.done $0x0  }
0xa6: {  	s25 =	simm.s32 $0x1B8E;
	s24 =	sld [smem:$0x3FFE];
	[sflag:s23] =	ssyncadd.s32 $0xFFFFFFFF  }
0xa7: {  	s26 =	simm.s32 $execute0_lowered;
	[smem:$0x3FD2] =	sst s25  }
0xa8: {  	s7 =	sshll.u32 s26, $0x1;
	_ =	strace $0x80000046;
	[dreg:$0x1] =	wrdreg $0xFFFFFFFF  }
0xa9: {  	s28 =	simm.s32 $_size_execute0_lowered;
	s5 =	sadd.s32 s5, s7;
	[dreg:$0x0] =	wrdreg $0x0  }
0xaa: {  	s7 =	sshll.u32 s28, $0x1;
	[dreg:$0x2] =	wrdreg s5  }
0xab: {  	[dreg:$0x3] =	wrdreg s7  }
0xac: {  	[dreg:$0x4] =	wrdreg $0xC0  }
0xad: {  	_ =	task [dreg:s9], $0x5FFFF  }
0xae: {  	[dreg:$0x1] =	wrdreg $0xFFFFFFFF  }
0xaf: {  	[dreg:$0x0] =	wrdreg $0x60  }
0xb0: {  	[dreg:$0x2] =	wrdreg s24  }
0xb1: {  	[dreg:$0x3] =	wrdreg s2  }
0xb2: {  	[dreg:$0x4] =	wrdreg s18  }
0xb3: {  	[dreg:$0x5] =	wrdreg s4  }
0xb4: {  	[dreg:$0x6] =	wrdreg $0x9  }
0xb5: {  	_ =	task.clear_ibuf [dreg:s9], $0x7FFFF;
	_ =	strace $0x90000046  }
0xb6: {  	s29 =	simm.s32 $0x9;
	_ =	strace $0x80000048  }
0xb7: {  	_ =	swait.ge [sflag:s29], $0x1  }
0xb8: {  	[sflag:s29] =	ssyncadd.s32 $0xFFFFFFFF  }
0xb9: {  	_ =	strace $0x90000048  }
0xba: {  	_ =	sfence  }
0xbb: {  	s30 =	sld [smem:$0x0];
	_ =	sdelay $0x2  }
0xbc: {  	s31 =	sshll.u32 s1, $0xD;
	s1 =	sshrl.u32 s1, $0x2  }
0xbd: {  	s3 =	sand.u32 $0x4000, s31;
	s1 =	sadd.s32 s1, s30  }
0xbe: {  	s0 =	sor.u32 s3, s0;
	s1 =	sshll.u32 s1, $0x11  }
0xbf: {  	s0 =	sor.u32 s1, s0  }
0xc0: {  	s0 =	sadd.s32 $0x8F2B, s0  }
0xc1: {  	[sflag:s0] =	ssyncadd.remote.s32 $0x1  }
0xc2: {  	_ =	sfence.sel $0xFFFF  }
0xc3: {  	[dreg:$0x0] =	wrdreg $0xFFFFFFFF;
	(pc) =	sbr.abs _section_cstart, $3  }
0xc4: {  	[dreg:$0x1] =	wrdreg $0xFFFFFFFF  }
0xc5: {  	_ =	task.clear_ibuf [dreg:s9], $0x2FFFF;
	_ =	strace $0x9FFFFFFF  }
0xc6: {  	(tm) =	ssettm $0x7FFFFFFF  }
0xc7: {  	_ =	shalt  }
tec
execute0_lowered:
.L_overlay_start_1:
0x0: {  	(tag) =	ssettag $0x1  }
0x1: {  	s0 =	rddreg [dreg:$0x0]  }
0x2: {  	s2 =	srdreg.scid;
	s1 =	rddreg [dreg:$0x1]  }
0x3: {  	s3 =	stileid.u32;
	s4 =	rddreg [dreg:$0x3]  }
0x4: {  	s5 =	simm.s32 $0x0;
	s9 =	simm.s32 $0xD;
	s11 =	simm.s32 $0x80  }
0x5: {  	s14 =	simm.s32 $0xE480;
	s15 =	simm.s32 $0x9;
	s16 =	simm.s32 $0xA  }
0x6: {  	s17 =	simm.s32 $0xB;
	s2 =	sand.u32 $0x1, s2;
	s3 =	sshll.u32 s3, $0x1  }
0x7: {  	s18 =	simm.s32 $0xC;
	s19 =	simm.s32 $0x7;
	s3 =	sor.u32 s2, s3  }
0x8: {  	s20 =	simm.s32 $0x8;
	s2 =	ssub.s32 $0x2, s2;
	s6 =	smul.u32 $0xC80, s3  }
0x9: {  	s21 =	simm.s32 $0x0;
	[smem:$0x7FF] =	sst s5;
	s31 =	sshrl.u32 s2, $0x1  }
0xa: {  	_ =	strace $0x80000047;
	s2 =	ssub.s32 s2, s31;
	s0 =	sadd.s32 s6, s0  }
0xb: {  	s7 =	smul.u32 $0x320000, s3;
	s8 =	smax.u32 s2, $0x1;
	s6 =	sadd.s32 $0x400, s0  }
.LBB2_1:
0xc: {  	[tilespmem:s5], [sflag:$0xD] =	stream.linear.gather [hbm4b:s6+s5], $0x6400, $0x38;
	[tilespmem:$0x1E480] =	vst v63  }
0xd: {  	_ =	swait.ge [sflag:s9], $0x6400  }
0xe: {  	[sflag:s9] =	ssyncset.done $0x0  }
0xf: {  	[sflag:s9] =	ssyncadd.s32 $0xFFFF9C00  }
0x10: {  	s2 =	simm.s32 $0x6400;
	s0 =	rddreg [dreg:$0x2]  }
0x11: {  	[tilespmem:s2], [sflag:$0xD] =	stream.linear.gather [hbm4b:s0+s5], $0x80, $0x38;
	[tilespmem:$0x1E480] =	vst v63  }
0x12: {  	_ =	swait.ge [sflag:s9], $0x80  }
0x13: {  	[sflag:s9] =	ssyncset.done $0x0  }
0x14: {  	[sflag:s9] =	ssyncadd.s32 $0xFFFFFF80  }
0x15: {  	v0 =	vld [tilespmem:$0x0]  }
0x16: {  	v8 =	vld [tilespmem:$0x70]  }
0x17: {  	v1 =	vld [tilespmem:$0x10]  }
0x18: {  	v2 =	vld [tilespmem:$0x20]  }
0x19: {  	v3 =	vld [tilespmem:$0x30]  }
0x1a: {  	v4 =	vld [tilespmem:$0x40];
	vm0 =	vgt.s32 v0, $0x0  }
0x1b: {  	v5 =	vld [tilespmem:$0x50];
	vm11 =	vgt.s32 v8, $0x0;
	v0 =	vnsel vm0, $0x0, v0  }
0x1c: {  	v6 =	vld [tilespmem:$0x60];
	vm5 =	vgt.s32 v1, $0x0;
	v8 =	vnsel vm11, $0x0, v8;
	v7 =	vmin.u32 v0, $0x1869F  }
0x1d: {  	vm6 =	vgt.s32 v2, $0x0;
	v1 =	vnsel vm5, $0x0, v1;
	v8 =	vmin.u32 v8, $0x1869F;
	[tilespmem:$0x0] =	vst v7  }
0x1e: {  	v40 =	vld [tilespmem:$0x6400];
	vm7 =	vgt.s32 v3, $0x0;
	v2 =	vnsel vm6, $0x0, v2;
	v7 =	vmin.u32 v1, $0x1869F;
	[tilespmem:$0x70] =	vst v8  }
0x1f: {  	v41 =	vld [tilespmem:$0x6410];
	vm8 =	vgt.s32 v4, $0x0;
	v3 =	vnsel vm7, $0x0, v3;
	[tilespmem:$0x10] =	vst v7;
	v7 =	vmin.u32 v2, $0x1869F  }
0x20: {  	v42 =	vld [tilespmem:$0x6420];
	vm9 =	vgt.s32 v5, $0x0;
	v4 =	vnsel vm8, $0x0, v4;
	[tilespmem:$0x20] =	vst v7;
	v7 =	vmin.u32 v3, $0x1869F  }
0x21: {  	v43 =	vld [tilespmem:$0x6430];
	vm10 =	vgt.s32 v6, $0x0;
	v5 =	vnsel vm9, $0x0, v5;
	[tilespmem:$0x30] =	vst v7;
	v7 =	vmin.u32 v4, $0x1869F  }
0x22: {  	v63 =	vld [tilespmem:$0x6440];
	v6 =	vnsel vm10, $0x0, v6;
	[tilespmem:$0x40] =	vst v7;
	v7 =	vmin.u32 v5, $0x1869F  }
0x23: {  	v44 =	vld [tilespmem:$0x6450];
	[tilespmem:$0x50] =	vst v7;
	v7 =	vmin.u32 v6, $0x1869F  }
0x24: {  	s22 =	simm.s32 $0x6480;
	v5 =	vld [tilespmem:$0x6470];
	[tilespmem:$0x60] =	vst v7  }
0x25: {  	v6 =	vld [tilespmem:$0x6460];
	[tilespmem:s22], [sflag:$0x1] =	stream.indirect.gather [hbm4b:s1+s11], $0x80, s5, s11, $0xb8  }
0x26: {  	v8 =	vld [tilespmem:$0x80]  }
0x27: {  	v9 =	vld [tilespmem:$0x90]  }
0x28: {  	v10 =	vld [tilespmem:$0xA0]  }
0x29: {  	v11 =	vld [tilespmem:$0xB0]  }
0x2a: {  	v12 =	vld [tilespmem:$0xC0]  }
0x2b: {  	v13 =	vld [tilespmem:$0xD0];
	vm12 =	vgt.s32 v8, $0x0  }
0x2c: {  	v14 =	vld [tilespmem:$0xE0];
	vm13 =	vgt.s32 v9, $0x0;
	v8 =	vnsel vm12, $0x0, v8  }
0x2d: {  	v15 =	vld [tilespmem:$0xF0];
	vm14 =	vgt.s32 v10, $0x0;
	v9 =	vnsel vm13, $0x0, v9;
	v8 =	vmin.u32 v8, $0x1869F  }
0x2e: {  	vm15 =	vgt.s32 v11, $0x0;
	v45 =	vnsel vm14, $0x0, v10;
	[tilespmem:$0x80] =	vst v8;
	v8 =	vmin.u32 v9, $0x1869F  }
0x2f: {  	vm4 =	vgt.s32 v12, $0x0;
	v46 =	vnsel vm15, $0x0, v11;
	[tilespmem:$0x90] =	vst v8;
	v8 =	vmin.u32 v45, $0x1869F  }
0x30: {  	vm5 =	vgt.s32 v13, $0x0;
	v47 =	vnsel vm4, $0x0, v12;
	[tilespmem:$0xA0] =	vst v8;
	v8 =	vmin.u32 v46, $0x1869F  }
0x31: {  	vm6 =	vgt.s32 v14, $0x0;
	v48 =	vnsel vm5, $0x0, v13;
	[tilespmem:$0xB0] =	vst v8;
	v8 =	vmin.u32 v47, $0x1869F  }
0x32: {  	vm7 =	vgt.s32 v15, $0x0;
	v49 =	vnsel vm6, $0x0, v14;
	[tilespmem:$0xC0] =	vst v8;
	v8 =	vmin.u32 v48, $0x1869F  }
0x33: {  	v50 =	vnsel vm7, $0x0, v15;
	[tilespmem:$0xD0] =	vst v8;
	v8 =	vmin.u32 v49, $0x1869F  }
0x34: {  	[tilespmem:$0xE0] =	vst v8;
	v8 =	vmin.u32 v50, $0x1869F  }
0x35: {  	s30 =	simm.s32 $0xA480;
	[tilespmem:$0xF0] =	vst v8  }
0x36: {  	[tilespmem:s30], [sflag:$0x2] =	stream.indirect.gather [hbm4b:s1+s11], $0x80, s11, s11, $0xb8;
	[tilespmem:$0x1E480] =	vst v63  }
0x37: {  	v8 =	vld [tilespmem:$0x100]  }
0x38: {  	v51 =	vld [tilespmem:$0x110]  }
0x39: {  	v52 =	vld [tilespmem:$0x120]  }
0x3a: {  	v53 =	vld [tilespmem:$0x130]  }
0x3b: {  	[tilespmem:$0x1FFC0] =	vst v40;
	v54 =	vld [tilespmem:$0x140]  }
0x3c: {  	[tilespmem:$0x1FFD0] =	vst v41;
	v55 =	vld [tilespmem:$0x150];
	vm8 =	vgt.s32 v8, $0x0  }
0x3d: {  	[tilespmem:$0x1FFE0] =	vst v42;
	v56 =	vld [tilespmem:$0x160];
	vm9 =	vgt.s32 v51, $0x0;
	v8 =	vnsel vm8, $0x0, v8  }
0x3e: {  	[tilespmem:$0x1FFF0] =	vst v43;
	v57 =	vld [tilespmem:$0x170];
	vm10 =	vgt.s32 v52, $0x0;
	v9 =	vnsel vm9, $0x0, v51;
	v8 =	vmin.u32 v8, $0x1869F  }
0x3f: {  	vm11 =	vgt.s32 v53, $0x0;
	v58 =	vnsel vm10, $0x0, v52;
	[tilespmem:$0x100] =	vst v8;
	v8 =	vmin.u32 v9, $0x1869F  }
0x40: {  	vm12 =	vgt.s32 v54, $0x0;
	v59 =	vnsel vm11, $0x0, v53;
	[tilespmem:$0x110] =	vst v8;
	v8 =	vmin.u32 v58, $0x1869F  }
0x41: {  	vm13 =	vgt.s32 v55, $0x0;
	v60 =	vnsel vm12, $0x0, v54;
	[tilespmem:$0x120] =	vst v8;
	v8 =	vmin.u32 v59, $0x1869F  }
0x42: {  	vm14 =	vgt.s32 v56, $0x0;
	v61 =	vnsel vm13, $0x0, v55;
	[tilespmem:$0x130] =	vst v8;
	v8 =	vmin.u32 v60, $0x1869F  }
0x43: {  	vm15 =	vgt.s32 v57, $0x0;
	v62 =	vnsel vm14, $0x0, v56;
	[tilespmem:$0x140] =	vst v8;
	v8 =	vmin.u32 v61, $0x1869F  }
0x44: {  	v9 =	vmin.u32 v62, $0x1869F;
	[tilespmem:$0x150] =	vst v8;
	v8 =	vnsel vm15, $0x0, v57  }
0x45: {  	[tilespmem:$0x160] =	vst v9;
	v8 =	vmin.u32 v8, $0x1869F  }
0x46: {  	s31 =	simm.s32 $0x100;
	s23 =	simm.s32 $0x0;
	[tilespmem:$0x170] =	vst v8  }
0x47: {  	v7 =	vmov v44;
	[tilespmem:s14], [sflag:$0x3] =	stream.indirect.gather [hbm4b:s1+s11], $0x80, s31, s11, $0xb8;
	[tilespmem:$0x1E480] =	vst v63  }
.LBB2_2:
0x48: {  	s2 =	sadd.s32 $0x3, s23  }
0x49: {  	s0 =	sand.u32 $0xFF, s2  }
0x4a: {  	s3 =	sadd.s32 $0xFFFFFFFD, s23;
	s0 =	smul.u32 $0xAB, s0  }
0x4b: {  	p0 =	sgt.u32 s3, $0xC1  }
.Ltmp0:
0x4c: {  	s0 =	sshrl.u32 s0, $0xA;
	(pc) =	sbr.rel @p0 .LBB2_4-.Ltmp0, $3  }
0x4d: {  	s0 =	smul.u32 $0x6, s0;
	_ =	sdelay $0x1  }
0x4e: {  	s0 =	ssub.s32 s2, s0  }
0x4f: {  	s0 =	sand.u32 $0xFF, s0  }
.Ltmp1:
0x50: {  	(pc) =	sbr.rel .LBB2_5-.Ltmp1, $4  }
0x51: {  	s3 =	sadd.s32 $0x7, s0  }
0x52: {  	_ =	swait.ge [sflag:s3], $0x4000  }
0x53: {  	[sflag:s3] =	ssyncset.done $0x0  }
0x54: {  	[sflag:s3] =	ssyncadd.s32 $0xFFFFC000  }
.LBB2_4:
0x55: {  	p0 =	sgt.u32 s23, $0xC4  }
.Ltmp2:
0x56: {  	_ = 	snop;
	(pc) =	sbr.rel @p0 .LBB2_6-.Ltmp2, $1  }
0x57: {  	_ =	sdelay $0x3  }
.LBB2_5:
0x58: {  	s2 =	sshll.u32 s2, $0x7  }
0x59: {  	s2 =	sand.u32 $0x3FFFFF80, s2  }
0x5a: {  	v8 =	vld [tilespmem:s2+$0x0]  }
0x5b: {  	v9 =	vld [tilespmem:s2+$0x10]  }
0x5c: {  	v10 =	vld [tilespmem:s2+$0x20]  }
0x5d: {  	v11 =	vld [tilespmem:s2+$0x30]  }
0x5e: {  	v12 =	vld [tilespmem:s2+$0x40]  }
0x5f: {  	v13 =	vld [tilespmem:s2+$0x50];
	vm0 =	vgt.s32 v8, $0x0  }
0x60: {  	v14 =	vld [tilespmem:s2+$0x60];
	vm9 =	vgt.s32 v9, $0x0;
	v8 =	vnsel vm0, $0x0, v8  }
0x61: {  	v15 =	vld [tilespmem:s2+$0x70];
	vm10 =	vgt.s32 v10, $0x0;
	v9 =	vnsel vm9, $0x0, v9;
	v8 =	vmin.u32 v8, $0x1869F  }
0x62: {  	vm11 =	vgt.s32 v11, $0x0;
	v58 =	vnsel vm10, $0x0, v10;
	[tilespmem:s2+$0x0] =	vst v8;
	v8 =	vmin.u32 v9, $0x1869F  }
0x63: {  	vm12 =	vgt.s32 v12, $0x0;
	v59 =	vnsel vm11, $0x0, v11;
	[tilespmem:s2+$0x10] =	vst v8;
	v8 =	vmin.u32 v58, $0x1869F  }
0x64: {  	vm13 =	vgt.s32 v13, $0x0;
	v60 =	vnsel vm12, $0x0, v12;
	[tilespmem:s2+$0x20] =	vst v8;
	v8 =	vmin.u32 v59, $0x1869F  }
0x65: {  	vm14 =	vgt.s32 v14, $0x0;
	v61 =	vnsel vm13, $0x0, v13;
	[tilespmem:s2+$0x30] =	vst v8;
	v8 =	vmin.u32 v60, $0x1869F  }
0x66: {  	vm15 =	vgt.s32 v15, $0x0;
	v62 =	vnsel vm14, $0x0, v14;
	[tilespmem:s2+$0x40] =	vst v8;
	v8 =	vmin.u32 v61, $0x1869F  }
0x67: {  	v9 =	vmin.u32 v62, $0x1869F;
	[tilespmem:s2+$0x50] =	vst v8;
	v8 =	vnsel vm15, $0x0, v15  }
0x68: {  	s3 =	sshll.u32 s0, $0xE;
	[tilespmem:s2+$0x60] =	vst v9;
	v8 =	vmin.u32 v8, $0x1869F  }
0x69: {  	s31 =	sadd.s32 $0x1, s0;
	s3 =	sadd.s32 $0x6480, s3;
	[tilespmem:s2+$0x70] =	vst v8  }
0x6a: {  	[tilespmem:s3], [sflag:s31] =	stream.indirect.gather [hbm4b:s1+s11], $0x80, s2, s11, $0xb8;
	[tilespmem:$0x1E480] =	vst v63  }
.LBB2_6:
0x6b: {  	s0 =	smul.u32 $0xAB, s23;
	_ =	sdelay $0x1  }
0x6c: {  	s0 =	sshrl.u32 s0, $0xA  }
0x6d: {  	s0 =	sand.u32 $0x3F, s0  }
0x6e: {  	s0 =	smul.u32 $0x6, s0  }
0x6f: {  	s2 =	smulhi.u32 $0xAAAAAAAB, s23  }
0x70: {  	s0 =	ssub.s32 s23, s0  }
0x71: {  	s2 =	sshrl.u32 s2, $0x2;
	s24 =	sand.u32 $0xFF, s0  }
0x72: {  	s2 =	smul.u32 $0xFFFA0000, s2;
	s3 =	sadd.s32 $0x1, s24  }
0x73: {  	_ =	swait.ge [sflag:s3], $0x4000  }
0x74: {  	s0 =	sshra.s32 s2, $0x2;
	[sflag:s3] =	ssyncset.done $0x0  }
0x75: {  	s26 =	sadd.s32 s0, s22;
	[sflag:s3] =	ssyncadd.s32 $0xFFFFC000  }
0x76: {  	v48 =	vld [tilespmem:s26+$0x80]  }
0x77: {  	v47 =	vld [tilespmem:s26+$0x90];
	_ =	sdelay $0x1  }
0x78: {  	v45 =	vld [tilespmem:s26+$0xA0]  }
0x79: {  	v50 =	vld [tilespmem:s26+$0x10]  }
0x7a: {  	v46 =	vld [tilespmem:s26+$0xB0]  }
0x7b: {  	v53 =	vld [tilespmem:s26+$0x0];
	v8 =	vmul.f32 v48, v48;
	v9 =	vmul.f32 v47, v47  }
0x7c: {  	v55 =	vld [tilespmem:s26+$0xC0]  }
0x7d: {  	v51 =	vld [tilespmem:s26+$0x20];
	v8 =	vadd.f32 v9, v8;
	v9 =	vmul.f32 v45, v45  }
0x7e: {  	v56 =	vld [tilespmem:s26+$0xD0]  }
0x7f: {  	v54 =	vld [tilespmem:s26+$0x30];
	v8 =	vadd.f32 v9, v8;
	v9 =	vmul.f32 v46, v46  }
0x80: {  	v19 =	vld [tilespmem:s26+$0xE0];
	v10 =	vmul.f32 v50, v50;
	v11 =	vmul.f32 v53, v53  }
0x81: {  	v34 =	vld [tilespmem:s26+$0x40];
	v8 =	vadd.f32 v9, v8;
	v9 =	vmul.f32 v55, v55  }
0x82: {  	v49 =	vld [tilespmem:s26+$0xF0];
	v10 =	vadd.f32 v10, v11;
	v11 =	vmul.f32 v51, v51  }
0x83: {  	v38 =	vld [tilespmem:s26+$0x50];
	v8 =	vadd.f32 v9, v8;
	v9 =	vmul.f32 v56, v56  }
0x84: {  	v10 =	vadd.f32 v11, v10;
	v11 =	vmul.f32 v54, v54  }
0x85: {  	v37 =	vld [tilespmem:s26+$0x60];
	v8 =	vadd.f32 v9, v8;
	v9 =	vmul.f32 v19, v19  }
0x86: {  	v10 =	vadd.f32 v11, v10;
	v11 =	vmul.f32 v34, v34  }
0x87: {  	v40 =	vld [tilespmem:s26+$0x70];
	v8 =	vadd.f32 v9, v8;
	v9 =	vmul.f32 v49, v49  }
0x88: {  	v10 =	vadd.f32 v11, v10;
	v11 =	vmul.f32 v38, v38  }
0x89: {  	v8 =	vadd.f32 v9, v8  }
0x8a: {  	v9 =	vadd.f32 v11, v10;
	v10 =	vmul.f32 v37, v37  }
0x8b: {  	(xrf2) =	vadd.scan.msk.f32 $0xffff, v8  }
0x8c: {  	v8 =	vmul.f32 v40, v40;
	v9 =	vadd.f32 v10, v9  }
0x8d: {  	s25 =	sadd.s32 $0x100, s26  }
0x8e: {  	v1 =	vld [tilespmem:s25+$0x80];
	v8 =	vadd.f32 v8, v9  }
0x8f: {  	v0 =	vld [tilespmem:s25+$0x90]  }
0x90: {  	v21 =	vld [tilespmem:s25+$0x10];
	(xrf2) =	vadd.scan.msk.f32 $0xffff, v8  }
0x91: {  	v25 =	vld [tilespmem:s25+$0x0]  }
0x92: {  	v9 =	vld [tilespmem:s25+$0xA0]  }
0x93: {  	v2 =	vld [tilespmem:s25+$0xB0]  }
0x94: {  	v23 =	vld [tilespmem:s25+$0x20];
	[tilespmem:$0x1FF90] =	vst v1  }
0x95: {  	v13 =	vmul.f32 v0, v0;
	v1 =	vmul.f32 v1, v1;
	[tilespmem:$0x1FFA0] =	vst v0;
	v14, _, _ =	vpop (xrf2)  }
0x96: {  	v8 =	vld [tilespmem:s25+$0xC0];
	(v2sf) =	vpush v14, $0xF  }
0x97: {  	v22 =	vld [tilespmem:s25+$0x30];
	v0 =	vadd.f32 v13, v1;
	v13 =	vmul.f32 v9, v9  }
0x98: {  	v17 =	vmul.f32 v25, v25;
	v42 =	vld [tilespmem:s25+$0xD0];
	v14 =	vmul.f32 v21, v21  }
0x99: {  	v18 =	vmul.f32 v2, v2;
	v24 =	vld [tilespmem:s25+$0x40];
	v13 =	vadd.f32 v13, v0  }
0x9a: {  	v43 =	vld [tilespmem:s25+$0xE0];
	v14 =	vadd.f32 v14, v17;
	v17 =	vmul.f32 v23, v23;
	v20, _, _ =	vpop (xrf2)  }
0x9b: {  	v27 =	vld [tilespmem:s25+$0x50];
	v13 =	vadd.f32 v18, v13;
	v18 =	vmul.f32 v8, v8;
	(v2sf) =	vpush v20, $0xF  }
0x9c: {  	v31 =	vld [tilespmem:s25+$0xF0];
	v44 =	vmul.f32 v22, v22;
	v14 =	vadd.f32 v17, v14  }
0x9d: {  	v28 =	vld [tilespmem:s25+$0x60];
	v13 =	vadd.f32 v18, v13;
	v18 =	vmul.f32 v42, v42  }
0x9e: {  	v52 =	vmul.f32 v24, v24;
	v14 =	vadd.f32 v44, v14  }
0x9f: {  	v29 =	vld [tilespmem:s25+$0x70];
	v1 =	vadd.f32 v18, v13;
	v18 =	vmul.f32 v43, v43  }
0xa0: {  	v57 =	vmul.f32 v27, v27;
	v14 =	vadd.f32 v52, v14  }
0xa1: {  	v0 =	vadd.f32 v18, v1;
	v18 =	vmul.f32 v31, v31  }
0xa2: {  	v58 =	vmul.f32 v28, v28;
	v14 =	vadd.f32 v57, v14  }
0xa3: {  	v0 =	vadd.f32 v18, v0  }
0xa4: {  	v18 =	vmul.f32 v29, v29;
	v14 =	vadd.f32 v58, v14  }
0xa5: {  	(xrf2) =	vadd.scan.msk.f32 $0xffff, v0;
	s10 =	spop (v2sf)  }
0xa6: {  	v59 =	vadd.f32 v18, v14;
	s0 =	smul.f32 $7.812500000e-03, s10  }
0xa7: {  	s28 =	sadd.s32 $0x100, s25;
	[tilespmem:$0x1FFB0] =	vst v43  }
0xa8: {  	v60 =	vld [tilespmem:s28+$0x80];
	(xrf2) =	vadd.scan.msk.f32 $0xffff, v59;
	s0 =	sadd.f32 $9.999999970e-07, s0  }
0xa9: {  	v61 =	vld [tilespmem:s28+$0x90]  }
0xaa: {  	v62 =	vld [tilespmem:s28+$0xA0];
	s12 =	spop (v2sf);
	s3 =	sshrl.u32 s0, $0x1;
	s0 =	smul.f32 $5.000000000e-01, s0  }
0xab: {  	v26 =	vld [tilespmem:s28+$0x0];
	s2 =	smul.f32 $7.812500000e-03, s12;
	s3 =	ssub.s32 $0x5F3759DF, s3  }
0xac: {  	v3 =	vld [tilespmem:s28+$0xB0];
	s10 =	smul.f32 s3, s0  }
0xad: {  	v20 =	vld [tilespmem:s28+$0x10];
	s2 =	sadd.f32 $9.999999970e-07, s2  }
0xae: {  	v36 =	vld [tilespmem:s28+$0x20];
	s10 =	smul.f32 s3, s10  }
0xaf: {  	v30 =	vld [tilespmem:s28+$0xC0];
	v33 =	vmul.f32 v60, v60;
	v35 =	vmul.f32 v61, v61;
	v32, _, _ =	vpop (xrf2);
	s29 =	sshrl.u32 s2, $0x1;
	s2 =	smul.f32 $5.000000000e-01, s2  }
0xb0: {  	v39 =	vld [tilespmem:s28+$0x30];
	(v2sf) =	vpush v32, $0xF;
	s29 =	ssub.s32 $0x5F3759DF, s29;
	s10 =	ssub.f32 $1.500000000e+00, s10  }
0xb1: {  	v41 =	vld [tilespmem:s28+$0x40];
	v33 =	vadd.f32 v35, v33;
	v52 =	vmul.f32 v62, v62;
	s30 =	smul.f32 s29, s2  }
0xb2: {  	v43 =	vmul.f32 v26, v26;
	v35 =	vld [tilespmem:s28+$0xE0];
	v17 =	vmov v42;
	v42 =	vmul.f32 v20, v20;
	v44, _, _ =	vpop (xrf2);
	s3 =	smul.f32 s3, s10  }
0xb3: {  	v52 =	vadd.f32 v52, v33;
	v33 =	vld [tilespmem:s28+$0xF0];
	(v2sf) =	vpush v44, $0xF;
	s13 =	smul.f32 s29, s30  }
0xb4: {  	v16 =	vmov v2;
	v2 =	vmul.f32 v36, v36;
	v43 =	vadd.f32 v42, v43;
	v32 =	vld [tilespmem:s28+$0xD0];
	s0 =	smul.f32 s3, s0  }
0xb5: {  	v57 =	vmul.f32 v3, v3;
	v42 =	vld [tilespmem:s28+$0x50];
	s10 =	ssub.f32 $1.500000000e+00, s13  }
0xb6: {  	v58 =	vadd.f32 v2, v43;
	v43 =	vld [tilespmem:s28+$0x70];
	v59 =	vmul.f32 v39, v39;
	s0 =	smul.f32 s0, s3  }
0xb7: {  	v15 =	vmov v60;
	v60 =	vmul.f32 v30, v30;
	v52 =	vadd.f32 v57, v52;
	v44 =	vld [tilespmem:s28+$0x60];
	s10 =	smul.f32 s29, s10  }
0xb8: {  	v14 =	vmov v61;
	v61 =	vmul.f32 v41, v41;
	v58 =	vadd.f32 v59, v58;
	s0 =	ssub.f32 $1.500000000e+00, s0  }
0xb9: {  	v18 =	vmov v62;
	v52 =	vadd.f32 v60, v52;
	v62 =	vmul.f32 v32, v32;
	s29 =	smul.f32 s10, s2  }
0xba: {  	v0 =	vmul.f32 v42, v42;
	v58 =	vadd.f32 v61, v58;
	s2 =	smul.f32 s0, s3  }
0xbb: {  	v1 =	vmul.f32 v35, v35;
	v60 =	vmul.f32 v33, v33;
	v52 =	vadd.f32 v62, v52;
	s3 =	smul.f32 s29, s10  }
0xbc: {  	v58 =	vadd.f32 v0, v58;
	v62 =	vmul.f32 v43, v43;
	v2 =	vmul.f32 v44, v44  }
0xbd: {  	v57 =	vadd.f32 v1, v52;
	v61 =	vmul.f32 s2, v49;
	s0 =	ssub.f32 $1.500000000e+00, s3;
	v52 =	vmul.f32 s2, v48  }
0xbe: {  	v58 =	vadd.f32 v2, v58;
	v49 =	vmul.f32 s2, v47;
	v48 =	vmul.f32 s2, v45  }
0xbf: {  	v57 =	vadd.f32 v60, v57;
	s12 =	spop (v2sf);
	v47 =	vmul.f32 s2, v46;
	v46 =	vmul.f32 s2, v55;
	s0 =	smul.f32 s0, s10  }
0xc0: {  	v58 =	vadd.f32 v62, v58;
	s3 =	smul.f32 $7.812500000e-03, s12;
	v45 =	vmul.f32 s2, v56;
	v61 =	vmul.f32 v61, v5  }
0xc1: {  	s31 =	sadd.s32 $0x100, s28;
	s30 =	simm.s32 $0x4;
	s13 =	sshll.u32 s24, $0xE;
	(xrf2) =	vadd.scan.msk.f32 $0xffff, v57;
	v59 =	vmul.f32 s0, v53;
	v60 =	vmul.f32 s0, v50  }
0xc2: {  	v11 =	vmovc v3;
	s29 =	sadd.s32 $0x6480, s13;
	(xrf2) =	vadd.scan.msk.f32 $0xffff, v58;
	s3 =	sadd.f32 $9.999999970e-07, s3;
	[tilespmem:s26+$0xF0] =	vst v61;
	s10 =	spop (v2sf);
	v62 =	vmul.f32 s0, v51;
	v61 =	vmul.f32 s0, v54  }
.LBB2_7:
0xc3: {  	v3 =	vld [tilespmem:$0x1FFB0]  }
0xc4: {  	v57 =	vld [tilespmem:s31+$0x80]  }
0xc5: {  	v58 =	vld [tilespmem:s31+$0x90]  }
0xc6: {  	v13 =	vld [tilespmem:$0x1FFC0]  }
0xc7: {  	s10 =	smul.f32 $7.812500000e-03, s10;
	v4 =	vmul.f32 s0, v34;
	v12 =	vld [tilespmem:$0x1FFD0]  }
0xc8: {  	v0 =	vmul.f32 s0, v38;
	v53 =	vmovc v8;
	v2 =	vmul.f32 s2, v19;
	v8 =	vld [tilespmem:$0x1FFE0];
	s12 =	sshrl.u32 s3, $0x1;
	s3 =	smul.f32 $5.000000000e-01, s3;
	v19 =	vmovc v3;
	v3 =	vmov v35  }
0xc9: {  	v10 =	vmovc v9;
	v9 =	vmov v30;
	v30 =	vmul.f32 s0, v37;
	v1 =	vmul.f32 s0, v40;
	s12 =	ssub.s32 $0x5F3759DF, s12;
	s0 =	sadd.f32 $9.999999970e-07, s10;
	[tilespmem:$0x1FFB0] =	vst v3;
	v3 =	vld [tilespmem:$0x1FFF0]  }
0xca: {  	v54 =	vld [tilespmem:s31+$0x10];
	s13 =	smul.f32 s12, s3  }
0xcb: {  	v50 =	vmov v36;
	v55 =	vmov v17;
	v56 =	vld [tilespmem:s31+$0x0];
	s10 =	sshrl.u32 s0, $0x1;
	s0 =	smul.f32 $5.000000000e-01, s0;
	v36 =	vmul.f32 v59, v13  }
0xcc: {  	v17 =	vmovc v32;
	v38 =	vmovc v27;
	v27 =	vmov v42;
	v42 =	vmul.f32 v30, v6;
	v30 =	vld [tilespmem:s31+$0xC0];
	v32 =	vmul.f32 v60, v12;
	s2 =	smul.f32 s12, s13;
	s10 =	ssub.s32 $0x5F3759DF, s10  }
0xcd: {  	v51 =	vmovc v22;
	v22 =	vmov v39;
	v34 =	vmov v24;
	v59 =	vld [tilespmem:s31+$0xA0];
	v39 =	vmul.f32 v62, v8;
	s13 =	smul.f32 s10, s0;
	[tilespmem:s26+$0x0] =	vst v36  }
0xce: {  	v24 =	vmovc v41;
	v37 =	vmov v28;
	v41 =	vmul.f32 v4, v63;
	v60 =	vld [tilespmem:s31+$0xB0];
	[tilespmem:s26+$0x10] =	vst v32;
	s2 =	ssub.f32 $1.500000000e+00, s2;
	v35 =	vmul.f32 v61, v3  }
0xcf: {  	v28 =	vmov v44;
	v0 =	vmul.f32 v0, v7;
	v44 =	vmul.f32 v58, v58;
	v36 =	vld [tilespmem:s31+$0x20];
	[tilespmem:s26+$0x20] =	vst v39;
	s13 =	smul.f32 s10, s13;
	v61, _, _ =	vpop (xrf2)  }
0xd0: {  	v32 =	vmul.f32 v57, v57;
	s2 =	smul.f32 s12, s2;
	v47 =	vmul.f32 v47, v3;
	v3 =	vld [tilespmem:$0x1FF90];
	(v2sf) =	vpush v61, $0xF;
	[tilespmem:s26+$0x30] =	vst v35  }
0xd1: {  	v40 =	vmov v29;
	v29 =	vmov v43;
	v1 =	vmul.f32 v1, v5;
	s12 =	ssub.f32 $1.500000000e+00, s13;
	v39 =	vld [tilespmem:s31+$0x30];
	[tilespmem:s26+$0x40] =	vst v41  }
0xd2: {  	v43 =	vmul.f32 v54, v54;
	s3 =	smul.f32 s2, s3;
	v61 =	vmul.f32 v56, v56;
	v62, _, _ =	vpop (xrf2);
	v35 =	vadd.f32 v44, v32;
	v32 =	vld [tilespmem:s31+$0xD0];
	[tilespmem:s26+$0x50] =	vst v0  }
0xd3: {  	v2 =	vmul.f32 v2, v6;
	s10 =	smul.f32 s10, s12;
	v44 =	vmul.f32 v59, v59;
	(v2sf) =	vpush v62, $0xF;
	v41 =	vld [tilespmem:s31+$0x40];
	[tilespmem:s26+$0x60] =	vst v42  }
0xd4: {  	v52 =	vmul.f32 v52, v13;
	v62 =	vld [tilespmem:s31+$0xF0];
	s3 =	smul.f32 s3, s2;
	v43 =	vadd.f32 v43, v61;
	v61 =	vmul.f32 v36, v36;
	[tilespmem:s26+$0x70] =	vst v1  }
0xd5: {  	v4 =	vmovc v15;
	v0 =	vmul.f32 v49, v12;
	v49 =	vmul.f32 v60, v60;
	s0 =	smul.f32 s10, s0;
	v44 =	vadd.f32 v44, v35;
	v42 =	vld [tilespmem:s31+$0x50]  }
0xd6: {  	[tilespmem:s26+$0x80] =	vst v52;
	v35 =	vld [tilespmem:s31+$0xE0];
	v1 =	vmul.f32 v48, v8;
	v52 =	vadd.f32 v61, v43;
	v61 =	vmul.f32 v39, v39  }
0xd7: {  	v15 =	vmov v57;
	[tilespmem:$0x1FF90] =	vst v4;
	s3 =	ssub.f32 $1.500000000e+00, s3;
	s0 =	smul.f32 s0, s10;
	v48 =	vadd.f32 v49, v44;
	v49 =	vmul.f32 v30, v30;
	v44 =	vld [tilespmem:s31+$0x60]  }
0xd8: {  	[tilespmem:s26+$0xA0] =	vst v1;
	v1 =	vmul.f32 v45, v7;
	v45 =	vadd.f32 v61, v52;
	v61 =	vmul.f32 v41, v41  }
0xd9: {  	[tilespmem:s26+$0x90] =	vst v0;
	v0 =	vmul.f32 v46, v63;
	v43 =	vld [tilespmem:s31+$0x70];
	s2 =	smul.f32 s3, s2;
	s0 =	ssub.f32 $1.500000000e+00, s0;
	v46 =	vadd.f32 v49, v48;
	v48 =	vmul.f32 v32, v32  }
0xda: {  	v8 =	vmovc v9;
	[tilespmem:s26+$0xB0] =	vst v47;
	v9 =	vmov v18;
	v49 =	vmul.f32 v42, v42;
	v61 =	vadd.f32 v61, v45  }
0xdb: {  	v18 =	vmovc v59;
	[tilespmem:s26+$0xC0] =	vst v0;
	v47 =	vmul.f32 s2, v16;
	s0 =	smul.f32 s0, s10;
	v46 =	vadd.f32 v48, v46;
	v52 =	vmul.f32 v35, v35  }
0xdc: {  	s30 =	sadd.s32 $0x2, s30;
	v57 =	vld [tilespmem:$0x1FFA0];
	v16 =	vmovc v11;
	v48 =	vmul.f32 v62, v62;
	v0 =	vadd.f32 v49, v61;
	v49 =	vmul.f32 v44, v44  }
0xdd: {  	p0 =	slt.u32 s30, $0x7E;
	[tilespmem:s26+$0xE0] =	vst v2;
	v11 =	vmovc v60;
	v59 =	vmul.f32 s0, v25;
	v60 =	vmul.f32 s0, v21;
	v21 =	vmovc v20;
	v52 =	vadd.f32 v52, v46  }
.Ltmp3:
0xde: {  	v20 =	vmovc v54;
	v25 =	vmovc v26;
	v45 =	vmul.f32 s2, v31;
	v61 =	vmul.f32 v43, v43;
	v0 =	vadd.f32 v49, v0;
	(pc) =	sbr.rel @p0 .LBB2_7-.Ltmp3, $4  }
0xdf: {  	[tilespmem:s26+$0xD0] =	vst v1;
	v26 =	vmovc v56;
	v31 =	vmovc v33;
	v46 =	vmul.f32 s2, v53;
	v1 =	vadd.f32 v48, v52;
	v52 =	vmul.f32 s2, v3;
	s13 =	spop (v2sf)  }
0xe0: {  	v33 =	vmovc v62;
	v62 =	vmul.f32 v45, v5;
	v3 =	vmovc v14;
	v48 =	vmul.f32 s2, v10;
	s3 =	smul.f32 $7.812500000e-03, s13;
	v0 =	vadd.f32 v61, v0  }
0xe1: {  	s26 =	smov.u32 s25;
	s25 =	smov.u32 s28;
	s28 =	smov.u32 s31;
	v14 =	vmovc v58;
	v45 =	vmul.f32 s2, v55;
	[tilespmem:$0x1FFA0] =	vst v3;
	v49 =	vmul.f32 s2, v57;
	(xrf2) =	vadd.scan.msk.f32 $0xffff, v1  }
0xe2: {  	s31 =	sadd.s32 $0x100, s31;
	[tilespmem:s26+$0xF0] =	vst v62;
	v62 =	vmul.f32 s0, v23;
	v23 =	vmovc v50;
	s10 =	spop (v2sf);
	v61 =	vmul.f32 s0, v51;
	s3 =	sadd.f32 $9.999999970e-07, s3;
	(xrf2) =	vadd.scan.msk.f32 $0xffff, v0  }
0xe3: {  	s10 =	smul.f32 $7.812500000e-03, s10  }
0xe4: {  	s12 =	sshrl.u32 s3, $0x1;
	s3 =	smul.f32 $5.000000000e-01, s3  }
0xe5: {  	s12 =	ssub.s32 $0x5F3759DF, s12;
	s10 =	sadd.f32 $9.999999970e-07, s10  }
0xe6: {  	v12 =	vld [tilespmem:$0x1FFC0];
	s13 =	smul.f32 s12, s3  }
0xe7: {  	v50 =	vld [tilespmem:$0x1FFD0];
	s30 =	sshrl.u32 s10, $0x1;
	s10 =	smul.f32 $5.000000000e-01, s10  }
0xe8: {  	v3 =	vld [tilespmem:$0x1FFE0];
	s13 =	smul.f32 s12, s13;
	s30 =	ssub.s32 $0x5F3759DF, s30  }
0xe9: {  	s31 =	smul.f32 s30, s10  }
0xea: {  	s13 =	ssub.f32 $1.500000000e+00, s13  }
0xeb: {  	v59 =	vmul.f32 v59, v12;
	v0, _, _ =	vpop (xrf2);
	s31 =	smul.f32 s30, s31  }
0xec: {  	v2 =	vmul.f32 s0, v34;
	v1 =	vmul.f32 v60, v50;
	(v2sf) =	vpush v0, $0xF;
	v58, _, _ =	vpop (xrf2);
	s12 =	smul.f32 s12, s13  }
0xed: {  	v40 =	vmul.f32 s0, v40;
	v62 =	vmul.f32 v62, v3;
	[tilespmem:s26+$0x0] =	vst v59;
	(v2sf) =	vpush v58, $0xF;
	s31 =	ssub.f32 $1.500000000e+00, s31  }
0xee: {  	v2 =	vmul.f32 v2, v63;
	v4 =	vld [tilespmem:$0x1FFF0];
	[tilespmem:s26+$0x10] =	vst v1;
	s3 =	smul.f32 s12, s3  }
0xef: {  	v51 =	vmul.f32 v40, v5;
	[tilespmem:s26+$0x20] =	vst v62;
	s13 =	smul.f32 s30, s31  }
0xf0: {  	v53 =	vmul.f32 v52, v12;
	[tilespmem:s26+$0x40] =	vst v2;
	s3 =	smul.f32 s3, s12  }
0xf1: {  	v54 =	vmul.f32 v49, v50;
	[tilespmem:s26+$0x70] =	vst v51;
	s10 =	smul.f32 s13, s10  }
0xf2: {  	v37 =	vmul.f32 s0, v37;
	v55 =	vmul.f32 v48, v3;
	[tilespmem:s26+$0x80] =	vst v53  }
0xf3: {  	v10 =	vmul.f32 s0, v38;
	v59 =	vmul.f32 v45, v7;
	[tilespmem:s26+$0x90] =	vst v54;
	s0 =	ssub.f32 $1.500000000e+00, s3;
	s3 =	smul.f32 s10, s13  }
0xf4: {  	v1 =	vmul.f32 v37, v6;
	[tilespmem:s26+$0xA0] =	vst v55  }
0xf5: {  	v57 =	vmul.f32 s2, v19;
	v0 =	vmul.f32 v10, v7;
	[tilespmem:s26+$0xD0] =	vst v59;
	s3 =	ssub.f32 $1.500000000e+00, s3  }
0xf6: {  	[tilespmem:s26+$0x60] =	vst v1;
	v58 =	vmul.f32 v46, v63;
	s0 =	smul.f32 s0, s12  }
0xf7: {  	v1 =	vmul.f32 v57, v6;
	[tilespmem:s26+$0x50] =	vst v0;
	s3 =	smul.f32 s3, s13  }
0xf8: {  	[tilespmem:s26+$0xC0] =	vst v58;
	v13 =	vmul.f32 v61, v4;
	v60 =	vmul.f32 s0, v31  }
0xf9: {  	[tilespmem:s26+$0xE0] =	vst v1;
	v56 =	vmul.f32 v47, v4;
	v61 =	vmul.f32 s3, v25  }
0xfa: {  	[tilespmem:s26+$0x30] =	vst v13;
	v0 =	vmul.f32 v60, v5;
	v62 =	vmul.f32 s3, v21  }
0xfb: {  	[tilespmem:s26+$0xB0] =	vst v56;
	v10 =	vmul.f32 s3, v23;
	s30 =	spop (v2sf);
	v19 =	vmul.f32 v61, v12  }
0xfc: {  	v13 =	vmul.f32 s3, v22;
	[tilespmem:s25+$0xF0] =	vst v0;
	v2 =	vmul.f32 v62, v50;
	s10 =	smul.f32 $7.812500000e-03, s30;
	s31 =	spop (v2sf)  }
0xfd: {  	v25 =	vmul.f32 s3, v24;
	v1 =	vmul.f32 v10, v3;
	s30 =	smul.f32 $7.812500000e-03, s31;
	[tilespmem:s25+$0x0] =	vst v19  }
0xfe: {  	v0 =	vmul.f32 v13, v4;
	[tilespmem:s25+$0x10] =	vst v2;
	s10 =	sadd.f32 $9.999999970e-07, s10  }
0xff: {  	v21 =	vmul.f32 v25, v63;
	[tilespmem:s25+$0x20] =	vst v1;
	s12 =	sadd.f32 $9.999999970e-07, s30  }
0x100: {  	[tilespmem:s25+$0x30] =	vst v0;
	s30 =	sshrl.u32 s10, $0x1;
	s10 =	smul.f32 $5.000000000e-01, s10  }
0x101: {  	v0 =	vld [tilespmem:$0x1FF90];
	[tilespmem:s25+$0x40] =	vst v21;
	s2 =	ssub.s32 $0x5F3759DF, s30;
	s31 =	sshrl.u32 s12, $0x1;
	s12 =	smul.f32 $5.000000000e-01, s12  }
0x102: {  	v10 =	vld [tilespmem:$0x1FFA0];
	s30 =	smul.f32 s2, s10;
	s13 =	ssub.s32 $0x5F3759DF, s31  }
0x103: {  	v31 =	vmul.f32 s3, v27;
	s31 =	smul.f32 s13, s12  }
0x104: {  	v34 =	vmul.f32 s3, v28;
	s30 =	smul.f32 s2, s30  }
0x105: {  	v37 =	vmul.f32 s3, v29;
	v19 =	vmul.f32 v31, v7;
	s31 =	smul.f32 s13, s31  }
0x106: {  	v2 =	vmul.f32 v34, v6;
	v0 =	vmul.f32 s0, v0;
	s30 =	ssub.f32 $1.500000000e+00, s30  }
0x107: {  	v1 =	vmul.f32 v37, v5;
	[tilespmem:s25+$0x50] =	vst v19;
	v10 =	vmul.f32 s0, v10;
	s26 =	ssub.f32 $1.500000000e+00, s31  }
0x108: {  	[tilespmem:s25+$0x60] =	vst v2;
	v0 =	vmul.f32 v0, v12;
	s2 =	smul.f32 s2, s30  }
0x109: {  	[tilespmem:s25+$0x70] =	vst v1;
	v10 =	vmul.f32 v10, v50;
	s13 =	smul.f32 s13, s26  }
0x10a: {  	[tilespmem:s25+$0x80] =	vst v0;
	s10 =	smul.f32 s2, s10  }
0x10b: {  	[tilespmem:s25+$0x90] =	vst v10;
	s12 =	smul.f32 s13, s12  }
0x10c: {  	v46 =	vld [tilespmem:$0x1FFB0];
	s3 =	smul.f32 s10, s2  }
0x10d: {  	v9 =	vmul.f32 s0, v9  }
0x10e: {  	v38 =	vmul.f32 s0, v16;
	s10 =	smul.f32 s12, s13;
	s3 =	ssub.f32 $1.500000000e+00, s3  }
0x10f: {  	v40 =	vmul.f32 s0, v8;
	v8 =	vmul.f32 v9, v3  }
0x110: {  	v45 =	vmul.f32 s0, v17;
	v2 =	vmul.f32 v38, v4;
	s10 =	ssub.f32 $1.500000000e+00, s10;
	s2 =	smul.f32 s3, s2  }
0x111: {  	v1 =	vmul.f32 v40, v63;
	[tilespmem:s25+$0xA0] =	vst v8;
	v9 =	vmul.f32 s0, v46  }
0x112: {  	v0 =	vmul.f32 v45, v7;
	[tilespmem:s25+$0xB0] =	vst v2;
	s26 =	smul.f32 s10, s13;
	v47 =	vmul.f32 s2, v33  }
0x113: {  	[tilespmem:s25+$0xC0] =	vst v1;
	v8 =	vmul.f32 v9, v6;
	v61 =	vmul.f32 s2, v35  }
0x114: {  	[tilespmem:s25+$0xD0] =	vst v0;
	v48 =	vmul.f32 s26, v26;
	v49 =	vmul.f32 v47, v5  }
0x115: {  	[tilespmem:s25+$0xE0] =	vst v8;
	v51 =	vmul.f32 s26, v20;
	v62 =	vmul.f32 v61, v6  }
0x116: {  	v8 =	vmul.f32 s26, v36;
	v1 =	vmul.f32 v48, v12;
	[tilespmem:s28+$0xF0] =	vst v49  }
0x117: {  	v52 =	vmul.f32 s26, v39;
	v2 =	vmul.f32 v51, v50;
	[tilespmem:s28+$0xE0] =	vst v62  }
0x118: {  	v53 =	vmul.f32 s26, v41;
	v8 =	vmul.f32 v8, v3;
	[tilespmem:s28+$0x0] =	vst v1  }
0x119: {  	v54 =	vmul.f32 s26, v42;
	v0 =	vmul.f32 v52, v4;
	[tilespmem:s28+$0x10] =	vst v2  }
0x11a: {  	v55 =	vmul.f32 s26, v44;
	v9 =	vmul.f32 v53, v63;
	[tilespmem:s28+$0x20] =	vst v8  }
0x11b: {  	v56 =	vmul.f32 s2, v15;
	v1 =	vmul.f32 v54, v7;
	[tilespmem:s28+$0x30] =	vst v0  }
0x11c: {  	v57 =	vmul.f32 s2, v14;
	v2 =	vmul.f32 v55, v6;
	[tilespmem:s28+$0x40] =	vst v9  }
0x11d: {  	v8 =	vmul.f32 s26, v43;
	v0 =	vmul.f32 v56, v12;
	[tilespmem:s28+$0x50] =	vst v1  }
0x11e: {  	v58 =	vmul.f32 s2, v18;
	v9 =	vmul.f32 v57, v50;
	[tilespmem:s28+$0x60] =	vst v2  }
0x11f: {  	v59 =	vmul.f32 s2, v11;
	v8 =	vmul.f32 v8, v5;
	[tilespmem:s28+$0x80] =	vst v0  }
0x120: {  	s30 =	sshll.u32 s23, $0xE;
	s23 =	sadd.s32 $0x1, s23;
	v60 =	vmul.f32 s2, v32;
	v1 =	vmul.f32 v58, v3;
	[tilespmem:s28+$0x90] =	vst v9  }
0x121: {  	p0 =	sne.s32 s23, $0xC8;
	v2 =	vmul.f32 v59, v4;
	[tilespmem:s28+$0x70] =	vst v8;
	v8 =	vmul.f32 s2, v30  }
.Ltmp4:
0x122: {  	v0 =	vmul.f32 v60, v7;
	[tilespmem:s28+$0xA0] =	vst v1;
	(pc) =	sbr.rel @p0 .LBB2_2-.Ltmp4, $4  }
0x123: {  	s0 =	sadd.s32 s7, s30;
	[tilespmem:s28+$0xB0] =	vst v2;
	v8 =	vmul.f32 v8, v63  }
0x124: {  	s0 =	sshrl.u32 s0, $0x3;
	[tilespmem:s28+$0xD0] =	vst v0  }
0x125: {  	s22 =	sadd.s32 $0x4000, s22;
	s31 =	sadd.s32 $0x7, s24;
	s0 =	sadd.s32 s4, s0;
	[tilespmem:s28+$0xC0] =	vst v8  }
0x126: {  	[hbm4b:s0+s5] =	stream.linear.scatter [tilespmem:s29], [sflag:s31], $0x4000, $0x38;
	[tilespmem:$0x1E480] =	vst v63  }
0x127: {  	_ =	swait.ge [sflag:s15], $0x4000  }
0x128: {  	[sflag:s15] =	ssyncset.done $0x0  }
0x129: {  	[sflag:s15] =	ssyncadd.s32 $0xFFFFC000  }
0x12a: {  	_ =	swait.ge [sflag:s16], $0x4000  }
0x12b: {  	[sflag:s16] =	ssyncset.done $0x0  }
0x12c: {  	[sflag:s16] =	ssyncadd.s32 $0xFFFFC000  }
0x12d: {  	_ =	swait.ge [sflag:s17], $0x4000  }
0x12e: {  	[sflag:s17] =	ssyncset.done $0x0  }
0x12f: {  	[sflag:s17] =	ssyncadd.s32 $0xFFFFC000  }
0x130: {  	_ =	swait.ge [sflag:s18], $0x4000  }
0x131: {  	[sflag:s18] =	ssyncset.done $0x0  }
0x132: {  	s21 =	sadd.s32 $0x1, s21;
	[sflag:s18] =	ssyncadd.s32 $0xFFFFC000  }
0x133: {  	p0 =	sne.s32 s21, s8;
	_ =	swait.ge [sflag:s19], $0x4000  }
.Ltmp5:
0x134: {  	[sflag:s19] =	ssyncset.done $0x0;
	(pc) =	sbr.rel @p0 .LBB2_1-.Ltmp5, $4  }
0x135: {  	[sflag:s19] =	ssyncadd.s32 $0xFFFFC000  }
0x136: {  	_ =	swait.ge [sflag:s20], $0x4000  }
0x137: {  	[sflag:s20] =	ssyncset.done $0x0  }
0x138: {  	[sflag:s20] =	ssyncadd.s32 $0xFFFFC000  }
0x139: {  	_ =	sfence.sel $0x180000  }
0x13a: {  	[bflag:$0x0] =	sbarrier.arrive $0xFFFF  }
0x13b: {  	_ =	strace $0x90000047  }
0x13c: {  	s0 =	stileid.u32;
	[bflag:$0x2] =	sbarrier.arrive $0xFFFF  }
0x13d: {  	p0 =	sne.s32 s0, $0x0;
	s0 =	rddreg [dreg:$0x4]  }
0x13e: {  	s0 =	sadd.s32 @!p0 $0x100000, s0  }
0x13f: {  	[sflag:s0] =	ssyncadd.tile.s32 @!p0 $0x1;
	_ =	shalt  }
.Lfunc_end2:
_tile_overlayer_lowered:
.L_overlay_start_2:
0x140: {  	(tag) =	ssettag $0x2  }
0x141: {  	s0 =	rddreg [dreg:$0x0];
	s2 =	stileid.u32  }
0x142: {  	s1 =	rddreg [dreg:$0x1];
	p0 =	sne.s32 s2, $0x0  }
0x143: {  	s3 =	rddreg [dreg:$0x2];
	[bflag:$0x3] =	sbarrier.arrive $0xFFFF;
	s2 =	simm.s32 @!p0 $0x1C0D  }
0x144: {  	[timem:s3], [sflag:s2] =	dma.local @!p0 [hbm:s0], s1  }
0x145: {  	s0 =	simm.s32 @!p0 $0xD  }
0x146: {  	_ =	swait.ge @!p0 [sflag:s0], s1  }
0x147: {  	s1 =	ssub.s32 @!p0 $0x0, s1;
	[sflag:s0] =	ssyncset.done @!p0 $0x0  }
0x148: {  	[sflag:s0] =	ssyncadd.s32 @!p0 s1  }
0x149: {  	[bflag:$0x3] =	sbarrier.arrive $0xFFFF  }
0x14a: {  	_ =	shalt  }

</sc_bundles>
